<compile_context>
chip_gen: v7x
topology: tpu7x:2x2x1
jax: 0.10.2.dev20260603
libtpu: 0.0.44.dev20260713+nightly
codegen_flags: <defaults>
</compile_context>

<pallas_src>
import functools

import jax
import jax.numpy as jnp
from jax import lax
from jax.experimental import pallas as pl
from jax.experimental.pallas import tpu as pltpu
from jax.experimental.pallas import tpu_sc as plsc

N_BINS = 8192
D_MODEL = 256
N_TOK = 16384
M_BLK = 512
N_ELEMS = N_TOK * D_MODEL

CHUNK = 2736
CPAD = 2816
NCHUNK = 3



def _requant(v):
    return v.astype(jnp.bfloat16).astype(jnp.float32)


def _argmin_body(z_ref, zs_ref, emb_ref, es_ref, idx_ref, loss_ref):
    i = pl.program_id(0)
    nsteps = pl.num_programs(0)

    z = z_ref[...]
    zs = zs_ref[...]
    zb = (-2.0 * z).astype(jnp.bfloat16)
    lane = lax.broadcasted_iota(jnp.int32, (M_BLK, 128), 1)

    acc_q = None
    for c in range(NCHUNK):
        e_c = emb_ref[c * CPAD:(c + 1) * CPAD, :]
        mm2 = lax.dot_general(zb, e_c, (((1,), (1,)), ((), ())),
                              preferred_element_type=jnp.float32)
        vs, ss = [], []
        for j in range(CPAD // 128):
            es_j = es_ref[:, c * CPAD + j * 128:c * CPAD + (j + 1) * 128]
            vs.append((zs + es_j) + mm2[:, j * 128:(j + 1) * 128])
            ss.append(jnp.full((M_BLK, 128), j, jnp.int32))
        while len(vs) > 1:
            nv, ns = [], []
            for a in range(0, len(vs) - 1, 2):
                le = vs[a] <= vs[a + 1]
                nv.append(jnp.minimum(vs[a], vs[a + 1]))
                ns.append(jnp.where(le, ss[a], ss[a + 1]))
            if len(vs) % 2:
                nv.append(vs[-1])
                ns.append(ss[-1])
            vs, ss = nv, ns
        vfin, sfin = vs[0], ss[0]
        v = jnp.min(vfin, axis=1, keepdims=True)
        ifin = sfin * 128 + lane
        li = jnp.min(jnp.where(vfin == v, ifin, CPAD),
                     axis=1, keepdims=True)
        gi = li + c * CHUNK
        if c == 0:
            acc_q, acc_i, lmin = _requant(v), gi, v
        else:
            upd = v < acc_q
            acc_i = jnp.where(upd, gi, acc_i)
            acc_q = jnp.where(upd, _requant(v), acc_q)
            lmin = jnp.minimum(lmin, v)

    idx_ref[0, 0, :] = acc_i[:, 0]

    @pl.when(i == 0)
    def _():
        loss_ref[...] = jnp.zeros_like(loss_ref)

    loss_ref[...] += jnp.sum(lmin).reshape(1, 1)
    del nsteps


def _argmin_loss(z2d, zs2d, emb16_pad, es_pad):
    grid = z2d.shape[0] // M_BLK
    return pl.pallas_call(
        _argmin_body,
        grid=(grid,),
        in_specs=[
            pl.BlockSpec((M_BLK, D_MODEL), lambda i: (i, 0)),
            pl.BlockSpec((M_BLK, 1), lambda i: (i, 0)),
            pl.BlockSpec((NCHUNK * CPAD, D_MODEL), lambda i: (0, 0)),
            pl.BlockSpec((1, NCHUNK * CPAD), lambda i: (0, 0)),
        ],
        out_specs=[
            pl.BlockSpec((1, 1, M_BLK), lambda i: (i, 0, 0)),
            pl.BlockSpec((1, 1), lambda i: (0, 0)),
        ],
        out_shape=[
            jax.ShapeDtypeStruct((grid, 1, M_BLK), jnp.int32),
            jax.ShapeDtypeStruct((1, 1), jnp.float32),
        ],
        compiler_params=pltpu.CompilerParams(
            dimension_semantics=("arbitrary",),
        ),
    )(z2d, zs2d, emb16_pad, es_pad)



_NW = 32
_CHUNK_G = 128


def _sc_gather(embedding, idx_flat):
    n_tok = idx_flat.shape[0]
    b_per_w = n_tok // _NW
    g_chunk = min(b_per_w, _CHUNK_G)
    mesh = plsc.VectorSubcoreMesh(core_axis_name="c", subcore_axis_name="s")

    @functools.partial(
        pl.kernel,
        mesh=mesh,
        out_type=jax.ShapeDtypeStruct((n_tok, D_MODEL), jnp.float32),
        scratch_types=[
            pltpu.VMEM((b_per_w,), jnp.int32),
            pltpu.VMEM((g_chunk, D_MODEL), jnp.float32),
            pltpu.SemaphoreType.DMA,
        ],
    )
    def k(table_hbm, idx_hbm, out_hbm, idx_v, rows_v, sem):
        wid = lax.axis_index("s") * 2 + lax.axis_index("c")
        base = wid * b_per_w
        pltpu.sync_copy(idx_hbm.at[pl.ds(base, b_per_w)], idx_v)

        @pl.loop(0, b_per_w, step=g_chunk)
        def _(c):
            pltpu.async_copy(
                table_hbm.at[idx_v.at[pl.ds(c, g_chunk)]], rows_v, sem
            ).wait()
            pltpu.sync_copy(rows_v, out_hbm.at[pl.ds(base + c, g_chunk)])

    return k(embedding, idx_flat)




def kernel(z, embedding):
    B, T, d = z.shape
    z2d = z.reshape(N_TOK, d)
    zs2d = jnp.sum(z2d ** 2, axis=1, keepdims=True)
    es = jnp.sum(embedding ** 2, axis=1)

    emb16 = embedding.astype(jnp.bfloat16)
    zrow = jnp.zeros((CPAD - CHUNK, D_MODEL), jnp.bfloat16)
    ztail = jnp.zeros((CPAD - (N_BINS - 2 * CHUNK), D_MODEL), jnp.bfloat16)
    emb16_pad = jnp.concatenate(
        [emb16[:CHUNK], zrow, emb16[CHUNK:2 * CHUNK], zrow,
         emb16[2 * CHUNK:], ztail], axis=0)
    inf_pad = jnp.full((CPAD - CHUNK,), jnp.inf, jnp.float32)
    inf_tail = jnp.full((CPAD - (N_BINS - 2 * CHUNK),), jnp.inf, jnp.float32)
    es_pad = jnp.concatenate(
        [es[:CHUNK], inf_pad, es[CHUNK:2 * CHUNK], inf_pad,
         es[2 * CHUNK:], inf_tail]).reshape(1, NCHUNK * CPAD)

    idx_blocks, losssum = _argmin_loss(z2d, zs2d, emb16_pad, es_pad)
    idx_flat = idx_blocks.reshape(N_TOK)
    z_q = _sc_gather(embedding, idx_flat)
    loss = (losssum * jnp.float32(1.25 / N_ELEMS)).reshape(())
    z_q_st = z_q.reshape(z.shape)
    indices = idx_flat.reshape(B, T)
    return (z_q_st, loss, indices)

# --- scband reference (transcript-rebuilt; emitter-appended) ---
"""Pipeline reference for scband-vector-quantizer-44753559224674 (READ-ONLY COPY).

The authoritative reference and input builder live on the scoring server;
editing this copy changes nothing except your own understanding.
"""

import jax, jax.numpy as jnp
import numpy as np

N_BINS = 8192
D_MODEL = 256
BETA = 0.25


def setup_inputs(seed: int = 0) -> dict:
    key = jax.random.key(seed)
    k1, k2 = jax.random.split(key)
    z = jax.random.normal(k1, (8, 2048, D_MODEL), dtype=jnp.float32)
    embedding = jax.random.uniform(k2, (N_BINS, D_MODEL), dtype=jnp.float32,
                                   minval=-1.0 / N_BINS, maxval=1.0 / N_BINS)
    return {"z": z, "embedding": embedding}


def reference(z, embedding):
    B, T, d = z.shape
    z_flat = z.reshape(-1, d)
    dist = (jnp.sum(z_flat ** 2, axis=1, keepdims=True)
            + jnp.sum(embedding ** 2, axis=1)
            - 2.0 * jnp.matmul(z_flat, embedding.T))
    min_idx = jnp.argmin(dist, axis=1)
    n_tok = z_flat.shape[0]
    min_encodings = jnp.zeros((n_tok, N_BINS), dtype=z.dtype).at[jnp.arange(n_tok), min_idx].set(1.0)
    z_q = jnp.matmul(min_encodings, embedding).reshape(z.shape)
    sg = jax.lax.stop_gradient
    loss = jnp.mean((sg(z_q) - z) ** 2) + BETA * jnp.mean((z_q - sg(z)) ** 2)
    z_q_st = z + sg(z_q - z)
    indices = min_idx.reshape(B, T)
    return (z_q_st, loss, indices)

if __name__ == "__main__":
    import jax
    _d = setup_inputs()
    print(jax.jit(kernel)(*tuple(_d.values())))

</pallas_src>

<mosaic_0001>
#map = affine_map<(d0, d1) -> (0, 0)>
#map1 = affine_map<(d0, d1) -> (0)>
module attributes {stable_mosaic.version = 14 : i64} {
  func.func @k(%arg0: i32, %arg1: i32, %arg2: memref<8192x256xf32, #tpu.memory_space<hbm>>, %arg3: memref<16384xi32, #tpu.memory_space<hbm>>, %arg4: memref<16384x256xf32, #tpu.memory_space<hbm>>, %arg5: memref<512xi32, #tpu.memory_space<vmem>>, %arg6: memref<128x256xf32, #tpu.memory_space<vmem>>, %arg7: memref<!tpu.dma_semaphore, #tpu.memory_space<semaphore_mem>>) attributes {dimension_semantics = [#tpu.dimension_semantics<core_parallel>, #tpu.dimension_semantics<subcore_parallel>], iteration_bounds = array<i64: 2, 16>, scalar_prefetch = 0 : i64, scratch_operands = 3 : i64, tpu.core_type = #tpu.core_type<sc_vector_subcore>, window_params = [{transform_indices = #map}, {transform_indices = #map1}, {transform_indices = #map}]} {
    %mul3A = arith.constant 2 : i32
    %mul3A_0 = arith.muli %arg1, %mul3A : i32
    %add3A = arith.addi %mul3A_0, %arg0 : i32
    %mul3A_1 = arith.constant 512 : i32
    %mul3A_2 = arith.muli %add3A, %mul3A_1 : i32
    "tpu.region"() ({
      %run_scoped3A = tpu.sem_alloc : memref<!tpu.dma_semaphore, #tpu.memory_space<semaphore_mem>>
      %dma_start3A = tpu.memref_slice %arg3[%mul3A_2] : memref<16384xi32, #tpu.memory_space<hbm>> -> memref<512xi32, #tpu.memory_space<hbm>>
      %dma_start3A_7 = tpu.memref_slice %arg3[%mul3A_2] : memref<16384xi32, #tpu.memory_space<hbm>> -> memref<512xi32, #tpu.memory_space<hbm>>
      tpu.enqueue_dma source(%dma_start3A_7 : memref<512xi32, #tpu.memory_space<hbm>>) target(%arg5 : memref<512xi32, #tpu.memory_space<vmem>>) target_semaphore(%run_scoped3A : memref<!tpu.dma_semaphore, #tpu.memory_space<semaphore_mem>>)
      %dma_wait3A = tpu.memref_slice %arg3[%mul3A_2] : memref<16384xi32, #tpu.memory_space<hbm>> -> memref<512xi32, #tpu.memory_space<hbm>>
      %dma_wait3A_8 = tpu.memref_slice %arg3[%mul3A_2] : memref<16384xi32, #tpu.memory_space<hbm>> -> memref<512xi32, #tpu.memory_space<hbm>>
      tpu.wait_dma2 semaphore(%run_scoped3A : memref<!tpu.dma_semaphore, #tpu.memory_space<semaphore_mem>>) src(%dma_wait3A_8 : memref<512xi32, #tpu.memory_space<hbm>>) dst(%arg5 : memref<512xi32, #tpu.memory_space<vmem>>)
      tpu.yield
    }) : () -> ()
    %scan3A = arith.constant 0 : i32
    %scan3A_3 = arith.constant 4 : i32
    %scan3A_4 = arith.addi %scan3A, %scan3A_3 : i32
    %scan3A_5 = arith.constant 1 : i32
    scf.for %scan3A_7 = %scan3A to %scan3A_4 step %scan3A_5  : i32 {
      %mul3A_8 = arith.constant 128 : i32
      %mul3A_9 = arith.muli %scan3A_7, %mul3A_8 : i32
      %add3A_10 = arith.constant 0 : i32
      %add3A_11 = arith.addi %add3A_10, %mul3A_9 : i32
      %dma_start3A = tpu.memref_slice %arg5[%add3A_11] : memref<512xi32, #tpu.memory_space<vmem>> -> memref<128xi32, #tpu.memory_space<vmem>>
      %dma_start3A_12 = arith.constant 0 : i32
      %dma_start3A_13 = arith.constant 0 : i32
      %dma_start3A_14 = tpu.memref_slice %arg2[%dma_start3A_12, %dma_start3A_13] : memref<8192x256xf32, #tpu.memory_space<hbm>> -> memref<8192x256xf32, #tpu.memory_space<hbm>>
      tpu.enqueue_indirect_dma source(%dma_start3A_14 : memref<8192x256xf32, #tpu.memory_space<hbm>>) target(%arg6 : memref<128x256xf32, #tpu.memory_space<vmem>>) offsets(%dma_start3A : memref<128xi32, #tpu.memory_space<vmem>>) semaphore(%arg7 : memref<!tpu.dma_semaphore, #tpu.memory_space<semaphore_mem>>)
      %dma_wait3A = tpu.memref_slice %arg5[%add3A_11] : memref<512xi32, #tpu.memory_space<vmem>> -> memref<128xi32, #tpu.memory_space<vmem>>
      %dma_wait3A_15 = arith.constant 0 : i32
      %dma_wait3A_16 = arith.constant 0 : i32
      %dma_wait3A_17 = tpu.memref_slice %arg2[%dma_wait3A_15, %dma_wait3A_16] : memref<8192x256xf32, #tpu.memory_space<hbm>> -> memref<8192x256xf32, #tpu.memory_space<hbm>>
      tpu.wait_indirect_dma semaphore(%arg7 : memref<!tpu.dma_semaphore, #tpu.memory_space<semaphore_mem>>) src(%dma_wait3A_17 : memref<8192x256xf32, #tpu.memory_space<hbm>>) dst(%arg6 : memref<128x256xf32, #tpu.memory_space<vmem>>)
      %add3A_18 = arith.addi %mul3A_2, %add3A_11 : i32
      "tpu.region"() ({
        %run_scoped3A = tpu.sem_alloc : memref<!tpu.dma_semaphore, #tpu.memory_space<semaphore_mem>>
        %dma_start3A_19 = arith.constant 0 : i32
        %dma_start3A_20 = tpu.memref_slice %arg4[%add3A_18, %dma_start3A_19] : memref<16384x256xf32, #tpu.memory_space<hbm>> -> memref<128x256xf32, #tpu.memory_space<hbm>>
        %dma_start3A_21 = arith.constant 0 : i32
        %dma_start3A_22 = tpu.memref_slice %arg4[%add3A_18, %dma_start3A_21] : memref<16384x256xf32, #tpu.memory_space<hbm>> -> memref<128x256xf32, #tpu.memory_space<hbm>>
        tpu.enqueue_dma source(%arg6 : memref<128x256xf32, #tpu.memory_space<vmem>>) target(%dma_start3A_22 : memref<128x256xf32, #tpu.memory_space<hbm>>) target_semaphore(%run_scoped3A : memref<!tpu.dma_semaphore, #tpu.memory_space<semaphore_mem>>)
        %dma_wait3A_23 = arith.constant 0 : i32
        %dma_wait3A_24 = tpu.memref_slice %arg4[%add3A_18, %dma_wait3A_23] : memref<16384x256xf32, #tpu.memory_space<hbm>> -> memref<128x256xf32, #tpu.memory_space<hbm>>
        %dma_wait3A_25 = arith.constant 0 : i32
        %dma_wait3A_26 = tpu.memref_slice %arg4[%add3A_18, %dma_wait3A_25] : memref<16384x256xf32, #tpu.memory_space<hbm>> -> memref<128x256xf32, #tpu.memory_space<hbm>>
        tpu.wait_dma2 semaphore(%run_scoped3A : memref<!tpu.dma_semaphore, #tpu.memory_space<semaphore_mem>>) src(%arg6 : memref<128x256xf32, #tpu.memory_space<vmem>>) dst(%dma_wait3A_26 : memref<128x256xf32, #tpu.memory_space<hbm>>)
        tpu.yield
      }) : () -> ()
    }
    %scan3A_6 = arith.constant 4 : i32
    return
  }
}

module attributes {stable_mosaic.version = 14 : i64} {
  func.func @_argmin_body(%arg0: i32, %arg1: memref<512x256xf32, #tpu.memory_space<vmem>>, %arg2: memref<512x1xf32, #tpu.memory_space<vmem>>, %arg3: memref<8448x256xbf16, #tpu.memory_space<vmem>>, %arg4: memref<1x8448xf32, #tpu.memory_space<vmem>>, %arg5: memref<1x1x512xi32, #tpu.memory_space<vmem>>, %arg6: memref<1x1xf32, #tpu.memory_space<vmem>>) attributes {dimension_semantics = [#tpu.dimension_semantics<arbitrary>], iteration_bounds = array<i64: 32>, scalar_prefetch = 0 : i64, scratch_operands = 0 : i64, tpu.core_type = #tpu.core_type<tc>, window_params = [{transform_indices = @transform_0, window_bounds = array<i64: 512, 256>}, {transform_indices = @transform_1, window_bounds = array<i64: 512, 1>}, {pipeline_mode = #tpu.pipeline_mode<synchronous>, transform_indices = @transform_2, window_bounds = array<i64: 8448, 256>}, {pipeline_mode = #tpu.pipeline_mode<synchronous>, transform_indices = @transform_3, window_bounds = array<i64: 1, 8448>}, {transform_indices = @transform_4, window_bounds = array<i64: 1, 1, 512>}, {pipeline_mode = #tpu.pipeline_mode<synchronous>, transform_indices = @transform_5, window_bounds = array<i64: 1, 1>}]} {
    %get3A = arith.constant 0 : index
    %get3A_0 = arith.constant 0 : index
    %get3A_1 = vector.load %arg1[%get3A, %get3A_0] : memref<512x256xf32, #tpu.memory_space<vmem>>, vector<512x256xf32>
    %get3A_2 = arith.constant 0 : index
    %get3A_3 = arith.constant 0 : index
    %get3A_4 = vector.load %arg2[%get3A_2, %get3A_3] : memref<512x1xf32, #tpu.memory_space<vmem>>, vector<512x1xf32>
    %mul3A = arith.constant -2.000000e+00 : f32
    %mul3A_5 = vector.broadcast %mul3A : f32 to vector<512x256xf32>
    %mul3A_6 = arith.mulf %mul3A_5, %get3A_1 : vector<512x256xf32>
    %convert_element_type3A = arith.truncf %mul3A_6 : vector<512x256xf32> to vector<512x256xbf16>
    %iota3A = tpu.iota {dimensions = array<i32: 1>} : vector<512x128xi32>
    %get3A_7 = arith.constant 0 : index
    %get3A_8 = arith.constant 0 : index
    %get3A_9 = vector.load %arg3[%get3A_7, %get3A_8] : memref<8448x256xbf16, #tpu.memory_space<vmem>>, vector<2816x256xbf16>
    %dot_general3A = arith.constant dense<0.000000e+00> : vector<512x2816xf32>
    %dot_general3A_10 = tpu.matmul %convert_element_type3A, %get3A_9, %dot_general3A {dimension_numbers = #tpu.dot_dimension_numbers<[1], [1], [0], [0], [0, 0, 1, 0], [], []>, transpose_lhs_hint = false} : vector<512x256xbf16>, vector<2816x256xbf16>, vector<512x2816xf32> -> vector<512x2816xf32>
    %get3A_11 = arith.constant 0 : index
    %get3A_12 = arith.constant 0 : index
    %get3A_13 = vector.load %arg4[%get3A_11, %get3A_12] : memref<1x8448xf32, #tpu.memory_space<vmem>>, vector<1x128xf32>
    %add3A = vector.broadcast %get3A_4 : vector<512x1xf32> to vector<512x128xf32>
    %add3A_14 = vector.broadcast %get3A_13 : vector<1x128xf32> to vector<512x128xf32>
    %add3A_15 = arith.addf %add3A, %add3A_14 : vector<512x128xf32>
    %slice3A = vector.extract_strided_slice %dot_general3A_10 {offsets = [0, 0], sizes = [512, 128], strides = [1, 1]} : vector<512x2816xf32> to vector<512x128xf32>
    %add3A_16 = arith.addf %add3A_15, %slice3A : vector<512x128xf32>
    %broadcast_in_dim3A = arith.constant 0 : i32
    %broadcast_in_dim3A_17 = vector.broadcast %broadcast_in_dim3A : i32 to vector<512x128xi32>
    %get3A_18 = arith.constant 0 : index
    %get3A_19 = arith.constant 128 : index
    %get3A_20 = vector.load %arg4[%get3A_18, %get3A_19] : memref<1x8448xf32, #tpu.memory_space<vmem>>, vector<1x128xf32>
    %add3A_21 = vector.broadcast %get3A_4 : vector<512x1xf32> to vector<512x128xf32>
    %add3A_22 = vector.broadcast %get3A_20 : vector<1x128xf32> to vector<512x128xf32>
    %add3A_23 = arith.addf %add3A_21, %add3A_22 : vector<512x128xf32>
    %slice3A_24 = vector.extract_strided_slice %dot_general3A_10 {offsets = [0, 128], sizes = [512, 128], strides = [1, 1]} : vector<512x2816xf32> to vector<512x128xf32>
    %add3A_25 = arith.addf %add3A_23, %slice3A_24 : vector<512x128xf32>
    %broadcast_in_dim3A_26 = arith.constant 1 : i32
    %broadcast_in_dim3A_27 = vector.broadcast %broadcast_in_dim3A_26 : i32 to vector<512x128xi32>
    %get3A_28 = arith.constant 0 : index
    %get3A_29 = arith.constant 256 : index
    %get3A_30 = vector.load %arg4[%get3A_28, %get3A_29] : memref<1x8448xf32, #tpu.memory_space<vmem>>, vector<1x128xf32>
    %add3A_31 = vector.broadcast %get3A_4 : vector<512x1xf32> to vector<512x128xf32>
    %add3A_32 = vector.broadcast %get3A_30 : vector<1x128xf32> to vector<512x128xf32>
    %add3A_33 = arith.addf %add3A_31, %add3A_32 : vector<512x128xf32>
    %slice3A_34 = vector.extract_strided_slice %dot_general3A_10 {offsets = [0, 256], sizes = [512, 128], strides = [1, 1]} : vector<512x2816xf32> to vector<512x128xf32>
    %add3A_35 = arith.addf %add3A_33, %slice3A_34 : vector<512x128xf32>
    %broadcast_in_dim3A_36 = arith.constant 2 : i32
    %broadcast_in_dim3A_37 = vector.broadcast %broadcast_in_dim3A_36 : i32 to vector<512x128xi32>
    %get3A_38 = arith.constant 0 : index
    %get3A_39 = arith.constant 384 : index
    %get3A_40 = vector.load %arg4[%get3A_38, %get3A_39] : memref<1x8448xf32, #tpu.memory_space<vmem>>, vector<1x128xf32>
    %add3A_41 = vector.broadcast %get3A_4 : vector<512x1xf32> to vector<512x128xf32>
    %add3A_42 = vector.broadcast %get3A_40 : vector<1x128xf32> to vector<512x128xf32>
    %add3A_43 = arith.addf %add3A_41, %add3A_42 : vector<512x128xf32>
    %slice3A_44 = vector.extract_strided_slice %dot_general3A_10 {offsets = [0, 384], sizes = [512, 128], strides = [1, 1]} : vector<512x2816xf32> to vector<512x128xf32>
    %add3A_45 = arith.addf %add3A_43, %slice3A_44 : vector<512x128xf32>
    %broadcast_in_dim3A_46 = arith.constant 3 : i32
    %broadcast_in_dim3A_47 = vector.broadcast %broadcast_in_dim3A_46 : i32 to vector<512x128xi32>
    %get3A_48 = arith.constant 0 : index
    %get3A_49 = arith.constant 512 : index
    %get3A_50 = vector.load %arg4[%get3A_48, %get3A_49] : memref<1x8448xf32, #tpu.memory_space<vmem>>, vector<1x128xf32>
    %add3A_51 = vector.broadcast %get3A_4 : vector<512x1xf32> to vector<512x128xf32>
    %add3A_52 = vector.broadcast %get3A_50 : vector<1x128xf32> to vector<512x128xf32>
    %add3A_53 = arith.addf %add3A_51, %add3A_52 : vector<512x128xf32>
    %slice3A_54 = vector.extract_strided_slice %dot_general3A_10 {offsets = [0, 512], sizes = [512, 128], strides = [1, 1]} : vector<512x2816xf32> to vector<512x128xf32>
    %add3A_55 = arith.addf %add3A_53, %slice3A_54 : vector<512x128xf32>
    %broadcast_in_dim3A_56 = arith.constant 4 : i32
    %broadcast_in_dim3A_57 = vector.broadcast %broadcast_in_dim3A_56 : i32 to vector<512x128xi32>
    %get3A_58 = arith.constant 0 : index
    %get3A_59 = arith.constant 640 : index
    %get3A_60 = vector.load %arg4[%get3A_58, %get3A_59] : memref<1x8448xf32, #tpu.memory_space<vmem>>, vector<1x128xf32>
    %add3A_61 = vector.broadcast %get3A_4 : vector<512x1xf32> to vector<512x128xf32>
    %add3A_62 = vector.broadcast %get3A_60 : vector<1x128xf32> to vector<512x128xf32>
    %add3A_63 = arith.addf %add3A_61, %add3A_62 : vector<512x128xf32>
    %slice3A_64 = vector.extract_strided_slice %dot_general3A_10 {offsets = [0, 640], sizes = [512, 128], strides = [1, 1]} : vector<512x2816xf32> to vector<512x128xf32>
    %add3A_65 = arith.addf %add3A_63, %slice3A_64 : vector<512x128xf32>
    %broadcast_in_dim3A_66 = arith.constant 5 : i32
    %broadcast_in_dim3A_67 = vector.broadcast %broadcast_in_dim3A_66 : i32 to vector<512x128xi32>
    %get3A_68 = arith.constant 0 : index
    %get3A_69 = arith.constant 768 : index
    %get3A_70 = vector.load %arg4[%get3A_68, %get3A_69] : memref<1x8448xf32, #tpu.memory_space<vmem>>, vector<1x128xf32>
    %add3A_71 = vector.broadcast %get3A_4 : vector<512x1xf32> to vector<512x128xf32>
    %add3A_72 = vector.broadcast %get3A_70 : vector<1x128xf32> to vector<512x128xf32>
    %add3A_73 = arith.addf %add3A_71, %add3A_72 : vector<512x128xf32>
    %slice3A_74 = vector.extract_strided_slice %dot_general3A_10 {offsets = [0, 768], sizes = [512, 128], strides = [1, 1]} : vector<512x2816xf32> to vector<512x128xf32>
    %add3A_75 = arith.addf %add3A_73, %slice3A_74 : vector<512x128xf32>
    %broadcast_in_dim3A_76 = arith.constant 6 : i32
    %broadcast_in_dim3A_77 = vector.broadcast %broadcast_in_dim3A_76 : i32 to vector<512x128xi32>
    %get3A_78 = arith.constant 0 : index
    %get3A_79 = arith.constant 896 : index
    %get3A_80 = vector.load %arg4[%get3A_78, %get3A_79] : memref<1x8448xf32, #tpu.memory_space<vmem>>, vector<1x128xf32>
    %add3A_81 = vector.broadcast %get3A_4 : vector<512x1xf32> to vector<512x128xf32>
    %add3A_82 = vector.broadcast %get3A_80 : vector<1x128xf32> to vector<512x128xf32>
    %add3A_83 = arith.addf %add3A_81, %add3A_82 : vector<512x128xf32>
    %slice3A_84 = vector.extract_strided_slice %dot_general3A_10 {offsets = [0, 896], sizes = [512, 128], strides = [1, 1]} : vector<512x2816xf32> to vector<512x128xf32>
    %add3A_85 = arith.addf %add3A_83, %slice3A_84 : vector<512x128xf32>
    %broadcast_in_dim3A_86 = arith.constant 7 : i32
    %broadcast_in_dim3A_87 = vector.broadcast %broadcast_in_dim3A_86 : i32 to vector<512x128xi32>
    %get3A_88 = arith.constant 0 : index
    %get3A_89 = arith.constant 1024 : index
    %get3A_90 = vector.load %arg4[%get3A_88, %get3A_89] : memref<1x8448xf32, #tpu.memory_space<vmem>>, vector<1x128xf32>
    %add3A_91 = vector.broadcast %get3A_4 : vector<512x1xf32> to vector<512x128xf32>
    %add3A_92 = vector.broadcast %get3A_90 : vector<1x128xf32> to vector<512x128xf32>
    %add3A_93 = arith.addf %add3A_91, %add3A_92 : vector<512x128xf32>
    %slice3A_94 = vector.extract_strided_slice %dot_general3A_10 {offsets = [0, 1024], sizes = [512, 128], strides = [1, 1]} : vector<512x2816xf32> to vector<512x128xf32>
    %add3A_95 = arith.addf %add3A_93, %slice3A_94 : vector<512x128xf32>
    %broadcast_in_dim3A_96 = arith.constant 8 : i32
    %broadcast_in_dim3A_97 = vector.broadcast %broadcast_in_dim3A_96 : i32 to vector<512x128xi32>
    %get3A_98 = arith.constant 0 : index
    %get3A_99 = arith.constant 1152 : index
    %get3A_100 = vector.load %arg4[%get3A_98, %get3A_99] : memref<1x8448xf32, #tpu.memory_space<vmem>>, vector<1x128xf32>
    %add3A_101 = vector.broadcast %get3A_4 : vector<512x1xf32> to vector<512x128xf32>
    %add3A_102 = vector.broadcast %get3A_100 : vector<1x128xf32> to vector<512x128xf32>
    %add3A_103 = arith.addf %add3A_101, %add3A_102 : vector<512x128xf32>
    %slice3A_104 = vector.extract_strided_slice %dot_general3A_10 {offsets = [0, 1152], sizes = [512, 128], strides = [1, 1]} : vector<512x2816xf32> to vector<512x128xf32>
    %add3A_105 = arith.addf %add3A_103, %slice3A_104 : vector<512x128xf32>
    %broadcast_in_dim3A_106 = arith.constant 9 : i32
    %broadcast_in_dim3A_107 = vector.broadcast %broadcast_in_dim3A_106 : i32 to vector<512x128xi32>
    %get3A_108 = arith.constant 0 : index
    %get3A_109 = arith.constant 1280 : index
    %get3A_110 = vector.load %arg4[%get3A_108, %get3A_109] : memref<1x8448xf32, #tpu.memory_space<vmem>>, vector<1x128xf32>
    %add3A_111 = vector.broadcast %get3A_4 : vector<512x1xf32> to vector<512x128xf32>
    %add3A_112 = vector.broadcast %get3A_110 : vector<1x128xf32> to vector<512x128xf32>
    %add3A_113 = arith.addf %add3A_111, %add3A_112 : vector<512x128xf32>
    %slice3A_114 = vector.extract_strided_slice %dot_general3A_10 {offsets = [0, 1280], sizes = [512, 128], strides = [1, 1]} : vector<512x2816xf32> to vector<512x128xf32>
    %add3A_115 = arith.addf %add3A_113, %slice3A_114 : vector<512x128xf32>
    %broadcast_in_dim3A_116 = arith.constant 10 : i32
    %broadcast_in_dim3A_117 = vector.broadcast %broadcast_in_dim3A_116 : i32 to vector<512x128xi32>
    %get3A_118 = arith.constant 0 : index
    %get3A_119 = arith.constant 1408 : index
    %get3A_120 = vector.load %arg4[%get3A_118, %get3A_119] : memref<1x8448xf32, #tpu.memory_space<vmem>>, vector<1x128xf32>
    %add3A_121 = vector.broadcast %get3A_4 : vector<512x1xf32> to vector<512x128xf32>
    %add3A_122 = vector.broadcast %get3A_120 : vector<1x128xf32> to vector<512x128xf32>
    %add3A_123 = arith.addf %add3A_121, %add3A_122 : vector<512x128xf32>
    %slice3A_124 = vector.extract_strided_slice %dot_general3A_10 {offsets = [0, 1408], sizes = [512, 128], strides = [1, 1]} : vector<512x2816xf32> to vector<512x128xf32>
    %add3A_125 = arith.addf %add3A_123, %slice3A_124 : vector<512x128xf32>
    %broadcast_in_dim3A_126 = arith.constant 11 : i32
    %broadcast_in_dim3A_127 = vector.broadcast %broadcast_in_dim3A_126 : i32 to vector<512x128xi32>
    %get3A_128 = arith.constant 0 : index
    %get3A_129 = arith.constant 1536 : index
    %get3A_130 = vector.load %arg4[%get3A_128, %get3A_129] : memref<1x8448xf32, #tpu.memory_space<vmem>>, vector<1x128xf32>
    %add3A_131 = vector.broadcast %get3A_4 : vector<512x1xf32> to vector<512x128xf32>
    %add3A_132 = vector.broadcast %get3A_130 : vector<1x128xf32> to vector<512x128xf32>
    %add3A_133 = arith.addf %add3A_131, %add3A_132 : vector<512x128xf32>
    %slice3A_134 = vector.extract_strided_slice %dot_general3A_10 {offsets = [0, 1536], sizes = [512, 128], strides = [1, 1]} : vector<512x2816xf32> to vector<512x128xf32>
    %add3A_135 = arith.addf %add3A_133, %slice3A_134 : vector<512x128xf32>
    %broadcast_in_dim3A_136 = arith.constant 12 : i32
    %broadcast_in_dim3A_137 = vector.broadcast %broadcast_in_dim3A_136 : i32 to vector<512x128xi32>
    %get3A_138 = arith.constant 0 : index
    %get3A_139 = arith.constant 1664 : index
    %get3A_140 = vector.load %arg4[%get3A_138, %get3A_139] : memref<1x8448xf32, #tpu.memory_space<vmem>>, vector<1x128xf32>
    %add3A_141 = vector.broadcast %get3A_4 : vector<512x1xf32> to vector<512x128xf32>
    %add3A_142 = vector.broadcast %get3A_140 : vector<1x128xf32> to vector<512x128xf32>
    %add3A_143 = arith.addf %add3A_141, %add3A_142 : vector<512x128xf32>
    %slice3A_144 = vector.extract_strided_slice %dot_general3A_10 {offsets = [0, 1664], sizes = [512, 128], strides = [1, 1]} : vector<512x2816xf32> to vector<512x128xf32>
    %add3A_145 = arith.addf %add3A_143, %slice3A_144 : vector<512x128xf32>
    %broadcast_in_dim3A_146 = arith.constant 13 : i32
    %broadcast_in_dim3A_147 = vector.broadcast %broadcast_in_dim3A_146 : i32 to vector<512x128xi32>
    %get3A_148 = arith.constant 0 : index
    %get3A_149 = arith.constant 1792 : index
    %get3A_150 = vector.load %arg4[%get3A_148, %get3A_149] : memref<1x8448xf32, #tpu.memory_space<vmem>>, vector<1x128xf32>
    %add3A_151 = vector.broadcast %get3A_4 : vector<512x1xf32> to vector<512x128xf32>
    %add3A_152 = vector.broadcast %get3A_150 : vector<1x128xf32> to vector<512x128xf32>
    %add3A_153 = arith.addf %add3A_151, %add3A_152 : vector<512x128xf32>
    %slice3A_154 = vector.extract_strided_slice %dot_general3A_10 {offsets = [0, 1792], sizes = [512, 128], strides = [1, 1]} : vector<512x2816xf32> to vector<512x128xf32>
    %add3A_155 = arith.addf %add3A_153, %slice3A_154 : vector<512x128xf32>
    %broadcast_in_dim3A_156 = arith.constant 14 : i32
    %broadcast_in_dim3A_157 = vector.broadcast %broadcast_in_dim3A_156 : i32 to vector<512x128xi32>
    %get3A_158 = arith.constant 0 : index
    %get3A_159 = arith.constant 1920 : index
    %get3A_160 = vector.load %arg4[%get3A_158, %get3A_159] : memref<1x8448xf32, #tpu.memory_space<vmem>>, vector<1x128xf32>
    %add3A_161 = vector.broadcast %get3A_4 : vector<512x1xf32> to vector<512x128xf32>
    %add3A_162 = vector.broadcast %get3A_160 : vector<1x128xf32> to vector<512x128xf32>
    %add3A_163 = arith.addf %add3A_161, %add3A_162 : vector<512x128xf32>
    %slice3A_164 = vector.extract_strided_slice %dot_general3A_10 {offsets = [0, 1920], sizes = [512, 128], strides = [1, 1]} : vector<512x2816xf32> to vector<512x128xf32>
    %add3A_165 = arith.addf %add3A_163, %slice3A_164 : vector<512x128xf32>
    %broadcast_in_dim3A_166 = arith.constant 15 : i32
    %broadcast_in_dim3A_167 = vector.broadcast %broadcast_in_dim3A_166 : i32 to vector<512x128xi32>
    %get3A_168 = arith.constant 0 : index
    %get3A_169 = arith.constant 2048 : index
    %get3A_170 = vector.load %arg4[%get3A_168, %get3A_169] : memref<1x8448xf32, #tpu.memory_space<vmem>>, vector<1x128xf32>
    %add3A_171 = vector.broadcast %get3A_4 : vector<512x1xf32> to vector<512x128xf32>
    %add3A_172 = vector.broadcast %get3A_170 : vector<1x128xf32> to vector<512x128xf32>
    %add3A_173 = arith.addf %add3A_171, %add3A_172 : vector<512x128xf32>
    %slice3A_174 = vector.extract_strided_slice %dot_general3A_10 {offsets = [0, 2048], sizes = [512, 128], strides = [1, 1]} : vector<512x2816xf32> to vector<512x128xf32>
    %add3A_175 = arith.addf %add3A_173, %slice3A_174 : vector<512x128xf32>
    %broadcast_in_dim3A_176 = arith.constant 16 : i32
    %broadcast_in_dim3A_177 = vector.broadcast %broadcast_in_dim3A_176 : i32 to vector<512x128xi32>
    %get3A_178 = arith.constant 0 : index
    %get3A_179 = arith.constant 2176 : index
    %get3A_180 = vector.load %arg4[%get3A_178, %get3A_179] : memref<1x8448xf32, #tpu.memory_space<vmem>>, vector<1x128xf32>
    %add3A_181 = vector.broadcast %get3A_4 : vector<512x1xf32> to vector<512x128xf32>
    %add3A_182 = vector.broadcast %get3A_180 : vector<1x128xf32> to vector<512x128xf32>
    %add3A_183 = arith.addf %add3A_181, %add3A_182 : vector<512x128xf32>
    %slice3A_184 = vector.extract_strided_slice %dot_general3A_10 {offsets = [0, 2176], sizes = [512, 128], strides = [1, 1]} : vector<512x2816xf32> to vector<512x128xf32>
    %add3A_185 = arith.addf %add3A_183, %slice3A_184 : vector<512x128xf32>
    %broadcast_in_dim3A_186 = arith.constant 17 : i32
    %broadcast_in_dim3A_187 = vector.broadcast %broadcast_in_dim3A_186 : i32 to vector<512x128xi32>
    %get3A_188 = arith.constant 0 : index
    %get3A_189 = arith.constant 2304 : index
    %get3A_190 = vector.load %arg4[%get3A_188, %get3A_189] : memref<1x8448xf32, #tpu.memory_space<vmem>>, vector<1x128xf32>
    %add3A_191 = vector.broadcast %get3A_4 : vector<512x1xf32> to vector<512x128xf32>
    %add3A_192 = vector.broadcast %get3A_190 : vector<1x128xf32> to vector<512x128xf32>
    %add3A_193 = arith.addf %add3A_191, %add3A_192 : vector<512x128xf32>
    %slice3A_194 = vector.extract_strided_slice %dot_general3A_10 {offsets = [0, 2304], sizes = [512, 128], strides = [1, 1]} : vector<512x2816xf32> to vector<512x128xf32>
    %add3A_195 = arith.addf %add3A_193, %slice3A_194 : vector<512x128xf32>
    %broadcast_in_dim3A_196 = arith.constant 18 : i32
    %broadcast_in_dim3A_197 = vector.broadcast %broadcast_in_dim3A_196 : i32 to vector<512x128xi32>
    %get3A_198 = arith.constant 0 : index
    %get3A_199 = arith.constant 2432 : index
    %get3A_200 = vector.load %arg4[%get3A_198, %get3A_199] : memref<1x8448xf32, #tpu.memory_space<vmem>>, vector<1x128xf32>
    %add3A_201 = vector.broadcast %get3A_4 : vector<512x1xf32> to vector<512x128xf32>
    %add3A_202 = vector.broadcast %get3A_200 : vector<1x128xf32> to vector<512x128xf32>
    %add3A_203 = arith.addf %add3A_201, %add3A_202 : vector<512x128xf32>
    %slice3A_204 = vector.extract_strided_slice %dot_general3A_10 {offsets = [0, 2432], sizes = [512, 128], strides = [1, 1]} : vector<512x2816xf32> to vector<512x128xf32>
    %add3A_205 = arith.addf %add3A_203, %slice3A_204 : vector<512x128xf32>
    %broadcast_in_dim3A_206 = arith.constant 19 : i32
    %broadcast_in_dim3A_207 = vector.broadcast %broadcast_in_dim3A_206 : i32 to vector<512x128xi32>
    %get3A_208 = arith.constant 0 : index
    %get3A_209 = arith.constant 2560 : index
    %get3A_210 = vector.load %arg4[%get3A_208, %get3A_209] : memref<1x8448xf32, #tpu.memory_space<vmem>>, vector<1x128xf32>
    %add3A_211 = vector.broadcast %get3A_4 : vector<512x1xf32> to vector<512x128xf32>
    %add3A_212 = vector.broadcast %get3A_210 : vector<1x128xf32> to vector<512x128xf32>
    %add3A_213 = arith.addf %add3A_211, %add3A_212 : vector<512x128xf32>
    %slice3A_214 = vector.extract_strided_slice %dot_general3A_10 {offsets = [0, 2560], sizes = [512, 128], strides = [1, 1]} : vector<512x2816xf32> to vector<512x128xf32>
    %add3A_215 = arith.addf %add3A_213, %slice3A_214 : vector<512x128xf32>
    %broadcast_in_dim3A_216 = arith.constant 20 : i32
    %broadcast_in_dim3A_217 = vector.broadcast %broadcast_in_dim3A_216 : i32 to vector<512x128xi32>
    %get3A_218 = arith.constant 0 : index
    %get3A_219 = arith.constant 2688 : index
    %get3A_220 = vector.load %arg4[%get3A_218, %get3A_219] : memref<1x8448xf32, #tpu.memory_space<vmem>>, vector<1x128xf32>
    %add3A_221 = vector.broadcast %get3A_4 : vector<512x1xf32> to vector<512x128xf32>
    %add3A_222 = vector.broadcast %get3A_220 : vector<1x128xf32> to vector<512x128xf32>
    %add3A_223 = arith.addf %add3A_221, %add3A_222 : vector<512x128xf32>
    %slice3A_224 = vector.extract_strided_slice %dot_general3A_10 {offsets = [0, 2688], sizes = [512, 128], strides = [1, 1]} : vector<512x2816xf32> to vector<512x128xf32>
    %add3A_225 = arith.addf %add3A_223, %slice3A_224 : vector<512x128xf32>
    %broadcast_in_dim3A_226 = arith.constant 21 : i32
    %broadcast_in_dim3A_227 = vector.broadcast %broadcast_in_dim3A_226 : i32 to vector<512x128xi32>
    %le3A = arith.cmpf ole, %add3A_16, %add3A_25 : vector<512x128xf32>
    %min3A = arith.minimumf %add3A_16, %add3A_25 : vector<512x128xf32>
    %select_n3A = arith.select %le3A, %broadcast_in_dim3A_17, %broadcast_in_dim3A_27 : vector<512x128xi1>, vector<512x128xi32>
    %le3A_228 = arith.cmpf ole, %add3A_35, %add3A_45 : vector<512x128xf32>
    %min3A_229 = arith.minimumf %add3A_35, %add3A_45 : vector<512x128xf32>
    %select_n3A_230 = arith.select %le3A_228, %broadcast_in_dim3A_37, %broadcast_in_dim3A_47 : vector<512x128xi1>, vector<512x128xi32>
    %le3A_231 = arith.cmpf ole, %add3A_55, %add3A_65 : vector<512x128xf32>
    %min3A_232 = arith.minimumf %add3A_55, %add3A_65 : vector<512x128xf32>
    %select_n3A_233 = arith.select %le3A_231, %broadcast_in_dim3A_57, %broadcast_in_dim3A_67 : vector<512x128xi1>, vector<512x128xi32>
    %le3A_234 = arith.cmpf ole, %add3A_75, %add3A_85 : vector<512x128xf32>
    %min3A_235 = arith.minimumf %add3A_75, %add3A_85 : vector<512x128xf32>
    %select_n3A_236 = arith.select %le3A_234, %broadcast_in_dim3A_77, %broadcast_in_dim3A_87 : vector<512x128xi1>, vector<512x128xi32>
    %le3A_237 = arith.cmpf ole, %add3A_95, %add3A_105 : vector<512x128xf32>
    %min3A_238 = arith.minimumf %add3A_95, %add3A_105 : vector<512x128xf32>
    %select_n3A_239 = arith.select %le3A_237, %broadcast_in_dim3A_97, %broadcast_in_dim3A_107 : vector<512x128xi1>, vector<512x128xi32>
    %le3A_240 = arith.cmpf ole, %add3A_115, %add3A_125 : vector<512x128xf32>
    %min3A_241 = arith.minimumf %add3A_115, %add3A_125 : vector<512x128xf32>
    %select_n3A_242 = arith.select %le3A_240, %broadcast_in_dim3A_117, %broadcast_in_dim3A_127 : vector<512x128xi1>, vector<512x128xi32>
    %le3A_243 = arith.cmpf ole, %add3A_135, %add3A_145 : vector<512x128xf32>
    %min3A_244 = arith.minimumf %add3A_135, %add3A_145 : vector<512x128xf32>
    %select_n3A_245 = arith.select %le3A_243, %broadcast_in_dim3A_137, %broadcast_in_dim3A_147 : vector<512x128xi1>, vector<512x128xi32>
    %le3A_246 = arith.cmpf ole, %add3A_155, %add3A_165 : vector<512x128xf32>
    %min3A_247 = arith.minimumf %add3A_155, %add3A_165 : vector<512x128xf32>
    %select_n3A_248 = arith.select %le3A_246, %broadcast_in_dim3A_157, %broadcast_in_dim3A_167 : vector<512x128xi1>, vector<512x128xi32>
    %le3A_249 = arith.cmpf ole, %add3A_175, %add3A_185 : vector<512x128xf32>
    %min3A_250 = arith.minimumf %add3A_175, %add3A_185 : vector<512x128xf32>
    %select_n3A_251 = arith.select %le3A_249, %broadcast_in_dim3A_177, %broadcast_in_dim3A_187 : vector<512x128xi1>, vector<512x128xi32>
    %le3A_252 = arith.cmpf ole, %add3A_195, %add3A_205 : vector<512x128xf32>
    %min3A_253 = arith.minimumf %add3A_195, %add3A_205 : vector<512x128xf32>
    %select_n3A_254 = arith.select %le3A_252, %broadcast_in_dim3A_197, %broadcast_in_dim3A_207 : vector<512x128xi1>, vector<512x128xi32>
    %le3A_255 = arith.cmpf ole, %add3A_215, %add3A_225 : vector<512x128xf32>
    %min3A_256 = arith.minimumf %add3A_215, %add3A_225 : vector<512x128xf32>
    %select_n3A_257 = arith.select %le3A_255, %broadcast_in_dim3A_217, %broadcast_in_dim3A_227 : vector<512x128xi1>, vector<512x128xi32>
    %le3A_258 = arith.cmpf ole, %min3A, %min3A_229 : vector<512x128xf32>
    %min3A_259 = arith.minimumf %min3A, %min3A_229 : vector<512x128xf32>
    %select_n3A_260 = arith.select %le3A_258, %select_n3A, %select_n3A_230 : vector<512x128xi1>, vector<512x128xi32>
    %le3A_261 = arith.cmpf ole, %min3A_232, %min3A_235 : vector<512x128xf32>
    %min3A_262 = arith.minimumf %min3A_232, %min3A_235 : vector<512x128xf32>
    %select_n3A_263 = arith.select %le3A_261, %select_n3A_233, %select_n3A_236 : vector<512x128xi1>, vector<512x128xi32>
    %le3A_264 = arith.cmpf ole, %min3A_238, %min3A_241 : vector<512x128xf32>
    %min3A_265 = arith.minimumf %min3A_238, %min3A_241 : vector<512x128xf32>
    %select_n3A_266 = arith.select %le3A_264, %select_n3A_239, %select_n3A_242 : vector<512x128xi1>, vector<512x128xi32>
    %le3A_267 = arith.cmpf ole, %min3A_244, %min3A_247 : vector<512x128xf32>
    %min3A_268 = arith.minimumf %min3A_244, %min3A_247 : vector<512x128xf32>
    %select_n3A_269 = arith.select %le3A_267, %select_n3A_245, %select_n3A_248 : vector<512x128xi1>, vector<512x128xi32>
    %le3A_270 = arith.cmpf ole, %min3A_250, %min3A_253 : vector<512x128xf32>
    %min3A_271 = arith.minimumf %min3A_250, %min3A_253 : vector<512x128xf32>
    %select_n3A_272 = arith.select %le3A_270, %select_n3A_251, %select_n3A_254 : vector<512x128xi1>, vector<512x128xi32>
    %le3A_273 = arith.cmpf ole, %min3A_259, %min3A_262 : vector<512x128xf32>
    %min3A_274 = arith.minimumf %min3A_259, %min3A_262 : vector<512x128xf32>
    %select_n3A_275 = arith.select %le3A_273, %select_n3A_260, %select_n3A_263 : vector<512x128xi1>, vector<512x128xi32>
    %le3A_276 = arith.cmpf ole, %min3A_265, %min3A_268 : vector<512x128xf32>
    %min3A_277 = arith.minimumf %min3A_265, %min3A_268 : vector<512x128xf32>
    %select_n3A_278 = arith.select %le3A_276, %select_n3A_266, %select_n3A_269 : vector<512x128xi1>, vector<512x128xi32>
    %le3A_279 = arith.cmpf ole, %min3A_271, %min3A_256 : vector<512x128xf32>
    %min3A_280 = arith.minimumf %min3A_271, %min3A_256 : vector<512x128xf32>
    %select_n3A_281 = arith.select %le3A_279, %select_n3A_272, %select_n3A_257 : vector<512x128xi1>, vector<512x128xi32>
    %le3A_282 = arith.cmpf ole, %min3A_274, %min3A_277 : vector<512x128xf32>
    %min3A_283 = arith.minimumf %min3A_274, %min3A_277 : vector<512x128xf32>
    %select_n3A_284 = arith.select %le3A_282, %select_n3A_275, %select_n3A_278 : vector<512x128xi1>, vector<512x128xi32>
    %le3A_285 = arith.cmpf ole, %min3A_283, %min3A_280 : vector<512x128xf32>
    %min3A_286 = arith.minimumf %min3A_283, %min3A_280 : vector<512x128xf32>
    %select_n3A_287 = arith.select %le3A_285, %select_n3A_284, %select_n3A_281 : vector<512x128xi1>, vector<512x128xi32>
    %reduce_min3A = arith.constant dense<0x7F800000> : vector<512xf32>
    %reduce_min3A_288 = vector.multi_reduction <minimumf>, %min3A_286, %reduce_min3A [1] : vector<512x128xf32> to vector<512xf32>
    %broadcast_in_dim3A_289 = vector.shape_cast %reduce_min3A_288 : vector<512xf32> to vector<512x1xf32>
    %mul3A_290 = arith.constant 128 : i32
    %mul3A_291 = vector.broadcast %mul3A_290 : i32 to vector<512x128xi32>
    %mul3A_292 = arith.muli %select_n3A_287, %mul3A_291 : vector<512x128xi32>
    %add3A_293 = arith.addi %mul3A_292, %iota3A : vector<512x128xi32>
    %eq3A = vector.broadcast %broadcast_in_dim3A_289 : vector<512x1xf32> to vector<512x128xf32>
    %eq3A_294 = arith.cmpf oeq, %min3A_286, %eq3A : vector<512x128xf32>
    %jit3A = arith.constant 2816 : i32
    %broadcast_in_dim3A_295 = vector.broadcast %jit3A : i32 to vector<512x128xi32>
    %select_n3A_296 = arith.select %eq3A_294, %add3A_293, %broadcast_in_dim3A_295 : vector<512x128xi1>, vector<512x128xi32>
    %reduce_min3A_297 = arith.constant dense<2147483647> : vector<512xi32>
    %reduce_min3A_298 = vector.multi_reduction <minsi>, %select_n3A_296, %reduce_min3A_297 [1] : vector<512x128xi32> to vector<512xi32>
    %broadcast_in_dim3A_299 = vector.shape_cast %reduce_min3A_298 : vector<512xi32> to vector<512x1xi32>
    %add3A_300 = arith.constant 0 : i32
    %add3A_301 = vector.broadcast %add3A_300 : i32 to vector<512x1xi32>
    %add3A_302 = arith.addi %broadcast_in_dim3A_299, %add3A_301 : vector<512x1xi32>
    %convert_element_type3A_303 = arith.truncf %broadcast_in_dim3A_289 : vector<512x1xf32> to vector<512x1xbf16>
    %convert_element_type3A_304 = arith.extf %convert_element_type3A_303 : vector<512x1xbf16> to vector<512x1xf32>
    %get3A_305 = arith.constant 2816 : index
    %get3A_306 = arith.constant 0 : index
    %get3A_307 = vector.load %arg3[%get3A_305, %get3A_306] : memref<8448x256xbf16, #tpu.memory_space<vmem>>, vector<2816x256xbf16>
    %dot_general3A_308 = arith.constant dense<0.000000e+00> : vector<512x2816xf32>
    %dot_general3A_309 = tpu.matmul %convert_element_type3A, %get3A_307, %dot_general3A_308 {dimension_numbers = #tpu.dot_dimension_numbers<[1], [1], [0], [0], [0, 0, 1, 0], [], []>, transpose_lhs_hint = false} : vector<512x256xbf16>, vector<2816x256xbf16>, vector<512x2816xf32> -> vector<512x2816xf32>
    %get3A_310 = arith.constant 0 : index
    %get3A_311 = arith.constant 2816 : index
    %get3A_312 = vector.load %arg4[%get3A_310, %get3A_311] : memref<1x8448xf32, #tpu.memory_space<vmem>>, vector<1x128xf32>
    %add3A_313 = vector.broadcast %get3A_4 : vector<512x1xf32> to vector<512x128xf32>
    %add3A_314 = vector.broadcast %get3A_312 : vector<1x128xf32> to vector<512x128xf32>
    %add3A_315 = arith.addf %add3A_313, %add3A_314 : vector<512x128xf32>
    %slice3A_316 = vector.extract_strided_slice %dot_general3A_309 {offsets = [0, 0], sizes = [512, 128], strides = [1, 1]} : vector<512x2816xf32> to vector<512x128xf32>
    %add3A_317 = arith.addf %add3A_315, %slice3A_316 : vector<512x128xf32>
    %broadcast_in_dim3A_318 = arith.constant 0 : i32
    %broadcast_in_dim3A_319 = vector.broadcast %broadcast_in_dim3A_318 : i32 to vector<512x128xi32>
    %get3A_320 = arith.constant 0 : index
    %get3A_321 = arith.constant 2944 : index
    %get3A_322 = vector.load %arg4[%get3A_320, %get3A_321] : memref<1x8448xf32, #tpu.memory_space<vmem>>, vector<1x128xf32>
    %add3A_323 = vector.broadcast %get3A_4 : vector<512x1xf32> to vector<512x128xf32>
    %add3A_324 = vector.broadcast %get3A_322 : vector<1x128xf32> to vector<512x128xf32>
    %add3A_325 = arith.addf %add3A_323, %add3A_324 : vector<512x128xf32>
    %slice3A_326 = vector.extract_strided_slice %dot_general3A_309 {offsets = [0, 128], sizes = [512, 128], strides = [1, 1]} : vector<512x2816xf32> to vector<512x128xf32>
    %add3A_327 = arith.addf %add3A_325, %slice3A_326 : vector<512x128xf32>
    %broadcast_in_dim3A_328 = arith.constant 1 : i32
    %broadcast_in_dim3A_329 = vector.broadcast %broadcast_in_dim3A_328 : i32 to vector<512x128xi32>
    %get3A_330 = arith.constant 0 : index
    %get3A_331 = arith.constant 3072 : index
    %get3A_332 = vector.load %arg4[%get3A_330, %get3A_331] : memref<1x8448xf32, #tpu.memory_space<vmem>>, vector<1x128xf32>
    %add3A_333 = vector.broadcast %get3A_4 : vector<512x1xf32> to vector<512x128xf32>
    %add3A_334 = vector.broadcast %get3A_332 : vector<1x128xf32> to vector<512x128xf32>
    %add3A_335 = arith.addf %add3A_333, %add3A_334 : vector<512x128xf32>
    %slice3A_336 = vector.extract_strided_slice %dot_general3A_309 {offsets = [0, 256], sizes = [512, 128], strides = [1, 1]} : vector<512x2816xf32> to vector<512x128xf32>
    %add3A_337 = arith.addf %add3A_335, %slice3A_336 : vector<512x128xf32>
    %broadcast_in_dim3A_338 = arith.constant 2 : i32
    %broadcast_in_dim3A_339 = vector.broadcast %broadcast_in_dim3A_338 : i32 to vector<512x128xi32>
    %get3A_340 = arith.constant 0 : index
    %get3A_341 = arith.constant 3200 : index
    %get3A_342 = vector.load %arg4[%get3A_340, %get3A_341] : memref<1x8448xf32, #tpu.memory_space<vmem>>, vector<1x128xf32>
    %add3A_343 = vector.broadcast %get3A_4 : vector<512x1xf32> to vector<512x128xf32>
    %add3A_344 = vector.broadcast %get3A_342 : vector<1x128xf32> to vector<512x128xf32>
    %add3A_345 = arith.addf %add3A_343, %add3A_344 : vector<512x128xf32>
    %slice3A_346 = vector.extract_strided_slice %dot_general3A_309 {offsets = [0, 384], sizes = [512, 128], strides = [1, 1]} : vector<512x2816xf32> to vector<512x128xf32>
    %add3A_347 = arith.addf %add3A_345, %slice3A_346 : vector<512x128xf32>
    %broadcast_in_dim3A_348 = arith.constant 3 : i32
    %broadcast_in_dim3A_349 = vector.broadcast %broadcast_in_dim3A_348 : i32 to vector<512x128xi32>
    %get3A_350 = arith.constant 0 : index
    %get3A_351 = arith.constant 3328 : index
    %get3A_352 = vector.load %arg4[%get3A_350, %get3A_351] : memref<1x8448xf32, #tpu.memory_space<vmem>>, vector<1x128xf32>
    %add3A_353 = vector.broadcast %get3A_4 : vector<512x1xf32> to vector<512x128xf32>
    %add3A_354 = vector.broadcast %get3A_352 : vector<1x128xf32> to vector<512x128xf32>
    %add3A_355 = arith.addf %add3A_353, %add3A_354 : vector<512x128xf32>
    %slice3A_356 = vector.extract_strided_slice %dot_general3A_309 {offsets = [0, 512], sizes = [512, 128], strides = [1, 1]} : vector<512x2816xf32> to vector<512x128xf32>
    %add3A_357 = arith.addf %add3A_355, %slice3A_356 : vector<512x128xf32>
    %broadcast_in_dim3A_358 = arith.constant 4 : i32
    %broadcast_in_dim3A_359 = vector.broadcast %broadcast_in_dim3A_358 : i32 to vector<512x128xi32>
    %get3A_360 = arith.constant 0 : index
    %get3A_361 = arith.constant 3456 : index
    %get3A_362 = vector.load %arg4[%get3A_360, %get3A_361] : memref<1x8448xf32, #tpu.memory_space<vmem>>, vector<1x128xf32>
    %add3A_363 = vector.broadcast %get3A_4 : vector<512x1xf32> to vector<512x128xf32>
    %add3A_364 = vector.broadcast %get3A_362 : vector<1x128xf32> to vector<512x128xf32>
    %add3A_365 = arith.addf %add3A_363, %add3A_364 : vector<512x128xf32>
    %slice3A_366 = vector.extract_strided_slice %dot_general3A_309 {offsets = [0, 640], sizes = [512, 128], strides = [1, 1]} : vector<512x2816xf32> to vector<512x128xf32>
    %add3A_367 = arith.addf %add3A_365, %slice3A_366 : vector<512x128xf32>
    %broadcast_in_dim3A_368 = arith.constant 5 : i32
    %broadcast_in_dim3A_369 = vector.broadcast %broadcast_in_dim3A_368 : i32 to vector<512x128xi32>
    %get3A_370 = arith.constant 0 : index
    %get3A_371 = arith.constant 3584 : index
    %get3A_372 = vector.load %arg4[%get3A_370, %get3A_371] : memref<1x8448xf32, #tpu.memory_space<vmem>>, vector<1x128xf32>
    %add3A_373 = vector.broadcast %get3A_4 : vector<512x1xf32> to vector<512x128xf32>
    %add3A_374 = vector.broadcast %get3A_372 : vector<1x128xf32> to vector<512x128xf32>
    %add3A_375 = arith.addf %add3A_373, %add3A_374 : vector<512x128xf32>
    %slice3A_376 = vector.extract_strided_slice %dot_general3A_309 {offsets = [0, 768], sizes = [512, 128], strides = [1, 1]} : vector<512x2816xf32> to vector<512x128xf32>
    %add3A_377 = arith.addf %add3A_375, %slice3A_376 : vector<512x128xf32>
    %broadcast_in_dim3A_378 = arith.constant 6 : i32
    %broadcast_in_dim3A_379 = vector.broadcast %broadcast_in_dim3A_378 : i32 to vector<512x128xi32>
    %get3A_380 = arith.constant 0 : index
    %get3A_381 = arith.constant 3712 : index
    %get3A_382 = vector.load %arg4[%get3A_380, %get3A_381] : memref<1x8448xf32, #tpu.memory_space<vmem>>, vector<1x128xf32>
    %add3A_383 = vector.broadcast %get3A_4 : vector<512x1xf32> to vector<512x128xf32>
    %add3A_384 = vector.broadcast %get3A_382 : vector<1x128xf32> to vector<512x128xf32>
    %add3A_385 = arith.addf %add3A_383, %add3A_384 : vector<512x128xf32>
    %slice3A_386 = vector.extract_strided_slice %dot_general3A_309 {offsets = [0, 896], sizes = [512, 128], strides = [1, 1]} : vector<512x2816xf32> to vector<512x128xf32>
    %add3A_387 = arith.addf %add3A_385, %slice3A_386 : vector<512x128xf32>
    %broadcast_in_dim3A_388 = arith.constant 7 : i32
    %broadcast_in_dim3A_389 = vector.broadcast %broadcast_in_dim3A_388 : i32 to vector<512x128xi32>
    %get3A_390 = arith.constant 0 : index
    %get3A_391 = arith.constant 3840 : index
    %get3A_392 = vector.load %arg4[%get3A_390, %get3A_391] : memref<1x8448xf32, #tpu.memory_space<vmem>>, vector<1x128xf32>
    %add3A_393 = vector.broadcast %get3A_4 : vector<512x1xf32> to vector<512x128xf32>
    %add3A_394 = vector.broadcast %get3A_392 : vector<1x128xf32> to vector<512x128xf32>
    %add3A_395 = arith.addf %add3A_393, %add3A_394 : vector<512x128xf32>
    %slice3A_396 = vector.extract_strided_slice %dot_general3A_309 {offsets = [0, 1024], sizes = [512, 128], strides = [1, 1]} : vector<512x2816xf32> to vector<512x128xf32>
    %add3A_397 = arith.addf %add3A_395, %slice3A_396 : vector<512x128xf32>
    %broadcast_in_dim3A_398 = arith.constant 8 : i32
    %broadcast_in_dim3A_399 = vector.broadcast %broadcast_in_dim3A_398 : i32 to vector<512x128xi32>
    %get3A_400 = arith.constant 0 : index
    %get3A_401 = arith.constant 3968 : index
    %get3A_402 = vector.load %arg4[%get3A_400, %get3A_401] : memref<1x8448xf32, #tpu.memory_space<vmem>>, vector<1x128xf32>
    %add3A_403 = vector.broadcast %get3A_4 : vector<512x1xf32> to vector<512x128xf32>
    %add3A_404 = vector.broadcast %get3A_402 : vector<1x128xf32> to vector<512x128xf32>
    %add3A_405 = arith.addf %add3A_403, %add3A_404 : vector<512x128xf32>
    %slice3A_406 = vector.extract_strided_slice %dot_general3A_309 {offsets = [0, 1152], sizes = [512, 128], strides = [1, 1]} : vector<512x2816xf32> to vector<512x128xf32>
    %add3A_407 = arith.addf %add3A_405, %slice3A_406 : vector<512x128xf32>
    %broadcast_in_dim3A_408 = arith.constant 9 : i32
    %broadcast_in_dim3A_409 = vector.broadcast %broadcast_in_dim3A_408 : i32 to vector<512x128xi32>
    %get3A_410 = arith.constant 0 : index
    %get3A_411 = arith.constant 4096 : index
    %get3A_412 = vector.load %arg4[%get3A_410, %get3A_411] : memref<1x8448xf32, #tpu.memory_space<vmem>>, vector<1x128xf32>
    %add3A_413 = vector.broadcast %get3A_4 : vector<512x1xf32> to vector<512x128xf32>
    %add3A_414 = vector.broadcast %get3A_412 : vector<1x128xf32> to vector<512x128xf32>
    %add3A_415 = arith.addf %add3A_413, %add3A_414 : vector<512x128xf32>
    %slice3A_416 = vector.extract_strided_slice %dot_general3A_309 {offsets = [0, 1280], sizes = [512, 128], strides = [1, 1]} : vector<512x2816xf32> to vector<512x128xf32>
    %add3A_417 = arith.addf %add3A_415, %slice3A_416 : vector<512x128xf32>
    %broadcast_in_dim3A_418 = arith.constant 10 : i32
    %broadcast_in_dim3A_419 = vector.broadcast %broadcast_in_dim3A_418 : i32 to vector<512x128xi32>
    %get3A_420 = arith.constant 0 : index
    %get3A_421 = arith.constant 4224 : index
    %get3A_422 = vector.load %arg4[%get3A_420, %get3A_421] : memref<1x8448xf32, #tpu.memory_space<vmem>>, vector<1x128xf32>
    %add3A_423 = vector.broadcast %get3A_4 : vector<512x1xf32> to vector<512x128xf32>
    %add3A_424 = vector.broadcast %get3A_422 : vector<1x128xf32> to vector<512x128xf32>
    %add3A_425 = arith.addf %add3A_423, %add3A_424 : vector<512x128xf32>
    %slice3A_426 = vector.extract_strided_slice %dot_general3A_309 {offsets = [0, 1408], sizes = [512, 128], strides = [1, 1]} : vector<512x2816xf32> to vector<512x128xf32>
    %add3A_427 = arith.addf %add3A_425, %slice3A_426 : vector<512x128xf32>
    %broadcast_in_dim3A_428 = arith.constant 11 : i32
    %broadcast_in_dim3A_429 = vector.broadcast %broadcast_in_dim3A_428 : i32 to vector<512x128xi32>
    %get3A_430 = arith.constant 0 : index
    %get3A_431 = arith.constant 4352 : index
    %get3A_432 = vector.load %arg4[%get3A_430, %get3A_431] : memref<1x8448xf32, #tpu.memory_space<vmem>>, vector<1x128xf32>
    %add3A_433 = vector.broadcast %get3A_4 : vector<512x1xf32> to vector<512x128xf32>
    %add3A_434 = vector.broadcast %get3A_432 : vector<1x128xf32> to vector<512x128xf32>
    %add3A_435 = arith.addf %add3A_433, %add3A_434 : vector<512x128xf32>
    %slice3A_436 = vector.extract_strided_slice %dot_general3A_309 {offsets = [0, 1536], sizes = [512, 128], strides = [1, 1]} : vector<512x2816xf32> to vector<512x128xf32>
    %add3A_437 = arith.addf %add3A_435, %slice3A_436 : vector<512x128xf32>
    %broadcast_in_dim3A_438 = arith.constant 12 : i32
    %broadcast_in_dim3A_439 = vector.broadcast %broadcast_in_dim3A_438 : i32 to vector<512x128xi32>
    %get3A_440 = arith.constant 0 : index
    %get3A_441 = arith.constant 4480 : index
    %get3A_442 = vector.load %arg4[%get3A_440, %get3A_441] : memref<1x8448xf32, #tpu.memory_space<vmem>>, vector<1x128xf32>
    %add3A_443 = vector.broadcast %get3A_4 : vector<512x1xf32> to vector<512x128xf32>
    %add3A_444 = vector.broadcast %get3A_442 : vector<1x128xf32> to vector<512x128xf32>
    %add3A_445 = arith.addf %add3A_443, %add3A_444 : vector<512x128xf32>
    %slice3A_446 = vector.extract_strided_slice %dot_general3A_309 {offsets = [0, 1664], sizes = [512, 128], strides = [1, 1]} : vector<512x2816xf32> to vector<512x128xf32>
    %add3A_447 = arith.addf %add3A_445, %slice3A_446 : vector<512x128xf32>
    %broadcast_in_dim3A_448 = arith.constant 13 : i32
    %broadcast_in_dim3A_449 = vector.broadcast %broadcast_in_dim3A_448 : i32 to vector<512x128xi32>
    %get3A_450 = arith.constant 0 : index
    %get3A_451 = arith.constant 4608 : index
    %get3A_452 = vector.load %arg4[%get3A_450, %get3A_451] : memref<1x8448xf32, #tpu.memory_space<vmem>>, vector<1x128xf32>
    %add3A_453 = vector.broadcast %get3A_4 : vector<512x1xf32> to vector<512x128xf32>
    %add3A_454 = vector.broadcast %get3A_452 : vector<1x128xf32> to vector<512x128xf32>
    %add3A_455 = arith.addf %add3A_453, %add3A_454 : vector<512x128xf32>
    %slice3A_456 = vector.extract_strided_slice %dot_general3A_309 {offsets = [0, 1792], sizes = [512, 128], strides = [1, 1]} : vector<512x2816xf32> to vector<512x128xf32>
    %add3A_457 = arith.addf %add3A_455, %slice3A_456 : vector<512x128xf32>
    %broadcast_in_dim3A_458 = arith.constant 14 : i32
    %broadcast_in_dim3A_459 = vector.broadcast %broadcast_in_dim3A_458 : i32 to vector<512x128xi32>
    %get3A_460 = arith.constant 0 : index
    %get3A_461 = arith.constant 4736 : index
    %get3A_462 = vector.load %arg4[%get3A_460, %get3A_461] : memref<1x8448xf32, #tpu.memory_space<vmem>>, vector<1x128xf32>
    %add3A_463 = vector.broadcast %get3A_4 : vector<512x1xf32> to vector<512x128xf32>
    %add3A_464 = vector.broadcast %get3A_462 : vector<1x128xf32> to vector<512x128xf32>
    %add3A_465 = arith.addf %add3A_463, %add3A_464 : vector<512x128xf32>
    %slice3A_466 = vector.extract_strided_slice %dot_general3A_309 {offsets = [0, 1920], sizes = [512, 128], strides = [1, 1]} : vector<512x2816xf32> to vector<512x128xf32>
    %add3A_467 = arith.addf %add3A_465, %slice3A_466 : vector<512x128xf32>
    %broadcast_in_dim3A_468 = arith.constant 15 : i32
    %broadcast_in_dim3A_469 = vector.broadcast %broadcast_in_dim3A_468 : i32 to vector<512x128xi32>
    %get3A_470 = arith.constant 0 : index
    %get3A_471 = arith.constant 4864 : index
    %get3A_472 = vector.load %arg4[%get3A_470, %get3A_471] : memref<1x8448xf32, #tpu.memory_space<vmem>>, vector<1x128xf32>
    %add3A_473 = vector.broadcast %get3A_4 : vector<512x1xf32> to vector<512x128xf32>
    %add3A_474 = vector.broadcast %get3A_472 : vector<1x128xf32> to vector<512x128xf32>
    %add3A_475 = arith.addf %add3A_473, %add3A_474 : vector<512x128xf32>
    %slice3A_476 = vector.extract_strided_slice %dot_general3A_309 {offsets = [0, 2048], sizes = [512, 128], strides = [1, 1]} : vector<512x2816xf32> to vector<512x128xf32>
    %add3A_477 = arith.addf %add3A_475, %slice3A_476 : vector<512x128xf32>
    %broadcast_in_dim3A_478 = arith.constant 16 : i32
    %broadcast_in_dim3A_479 = vector.broadcast %broadcast_in_dim3A_478 : i32 to vector<512x128xi32>
    %get3A_480 = arith.constant 0 : index
    %get3A_481 = arith.constant 4992 : index
    %get3A_482 = vector.load %arg4[%get3A_480, %get3A_481] : memref<1x8448xf32, #tpu.memory_space<vmem>>, vector<1x128xf32>
    %add3A_483 = vector.broadcast %get3A_4 : vector<512x1xf32> to vector<512x128xf32>
    %add3A_484 = vector.broadcast %get3A_482 : vector<1x128xf32> to vector<512x128xf32>
    %add3A_485 = arith.addf %add3A_483, %add3A_484 : vector<512x128xf32>
    %slice3A_486 = vector.extract_strided_slice %dot_general3A_309 {offsets = [0, 2176], sizes = [512, 128], strides = [1, 1]} : vector<512x2816xf32> to vector<512x128xf32>
    %add3A_487 = arith.addf %add3A_485, %slice3A_486 : vector<512x128xf32>
    %broadcast_in_dim3A_488 = arith.constant 17 : i32
    %broadcast_in_dim3A_489 = vector.broadcast %broadcast_in_dim3A_488 : i32 to vector<512x128xi32>
    %get3A_490 = arith.constant 0 : index
    %get3A_491 = arith.constant 5120 : index
    %get3A_492 = vector.load %arg4[%get3A_490, %get3A_491] : memref<1x8448xf32, #tpu.memory_space<vmem>>, vector<1x128xf32>
    %add3A_493 = vector.broadcast %get3A_4 : vector<512x1xf32> to vector<512x128xf32>
    %add3A_494 = vector.broadcast %get3A_492 : vector<1x128xf32> to vector<512x128xf32>
    %add3A_495 = arith.addf %add3A_493, %add3A_494 : vector<512x128xf32>
    %slice3A_496 = vector.extract_strided_slice %dot_general3A_309 {offsets = [0, 2304], sizes = [512, 128], strides = [1, 1]} : vector<512x2816xf32> to vector<512x128xf32>
    %add3A_497 = arith.addf %add3A_495, %slice3A_496 : vector<512x128xf32>
    %broadcast_in_dim3A_498 = arith.constant 18 : i32
    %broadcast_in_dim3A_499 = vector.broadcast %broadcast_in_dim3A_498 : i32 to vector<512x128xi32>
    %get3A_500 = arith.constant 0 : index
    %get3A_501 = arith.constant 5248 : index
    %get3A_502 = vector.load %arg4[%get3A_500, %get3A_501] : memref<1x8448xf32, #tpu.memory_space<vmem>>, vector<1x128xf32>
    %add3A_503 = vector.broadcast %get3A_4 : vector<512x1xf32> to vector<512x128xf32>
    %add3A_504 = vector.broadcast %get3A_502 : vector<1x128xf32> to vector<512x128xf32>
    %add3A_505 = arith.addf %add3A_503, %add3A_504 : vector<512x128xf32>
    %slice3A_506 = vector.extract_strided_slice %dot_general3A_309 {offsets = [0, 2432], sizes = [512, 128], strides = [1, 1]} : vector<512x2816xf32> to vector<512x128xf32>
    %add3A_507 = arith.addf %add3A_505, %slice3A_506 : vector<512x128xf32>
    %broadcast_in_dim3A_508 = arith.constant 19 : i32
    %broadcast_in_dim3A_509 = vector.broadcast %broadcast_in_dim3A_508 : i32 to vector<512x128xi32>
    %get3A_510 = arith.constant 0 : index
    %get3A_511 = arith.constant 5376 : index
    %get3A_512 = vector.load %arg4[%get3A_510, %get3A_511] : memref<1x8448xf32, #tpu.memory_space<vmem>>, vector<1x128xf32>
    %add3A_513 = vector.broadcast %get3A_4 : vector<512x1xf32> to vector<512x128xf32>
    %add3A_514 = vector.broadcast %get3A_512 : vector<1x128xf32> to vector<512x128xf32>
    %add3A_515 = arith.addf %add3A_513, %add3A_514 : vector<512x128xf32>
    %slice3A_516 = vector.extract_strided_slice %dot_general3A_309 {offsets = [0, 2560], sizes = [512, 128], strides = [1, 1]} : vector<512x2816xf32> to vector<512x128xf32>
    %add3A_517 = arith.addf %add3A_515, %slice3A_516 : vector<512x128xf32>
    %broadcast_in_dim3A_518 = arith.constant 20 : i32
    %broadcast_in_dim3A_519 = vector.broadcast %broadcast_in_dim3A_518 : i32 to vector<512x128xi32>
    %get3A_520 = arith.constant 0 : index
    %get3A_521 = arith.constant 5504 : index
    %get3A_522 = vector.load %arg4[%get3A_520, %get3A_521] : memref<1x8448xf32, #tpu.memory_space<vmem>>, vector<1x128xf32>
    %add3A_523 = vector.broadcast %get3A_4 : vector<512x1xf32> to vector<512x128xf32>
    %add3A_524 = vector.broadcast %get3A_522 : vector<1x128xf32> to vector<512x128xf32>
    %add3A_525 = arith.addf %add3A_523, %add3A_524 : vector<512x128xf32>
    %slice3A_526 = vector.extract_strided_slice %dot_general3A_309 {offsets = [0, 2688], sizes = [512, 128], strides = [1, 1]} : vector<512x2816xf32> to vector<512x128xf32>
    %add3A_527 = arith.addf %add3A_525, %slice3A_526 : vector<512x128xf32>
    %broadcast_in_dim3A_528 = arith.constant 21 : i32
    %broadcast_in_dim3A_529 = vector.broadcast %broadcast_in_dim3A_528 : i32 to vector<512x128xi32>
    %le3A_530 = arith.cmpf ole, %add3A_317, %add3A_327 : vector<512x128xf32>
    %min3A_531 = arith.minimumf %add3A_317, %add3A_327 : vector<512x128xf32>
    %select_n3A_532 = arith.select %le3A_530, %broadcast_in_dim3A_319, %broadcast_in_dim3A_329 : vector<512x128xi1>, vector<512x128xi32>
    %le3A_533 = arith.cmpf ole, %add3A_337, %add3A_347 : vector<512x128xf32>
    %min3A_534 = arith.minimumf %add3A_337, %add3A_347 : vector<512x128xf32>
    %select_n3A_535 = arith.select %le3A_533, %broadcast_in_dim3A_339, %broadcast_in_dim3A_349 : vector<512x128xi1>, vector<512x128xi32>
    %le3A_536 = arith.cmpf ole, %add3A_357, %add3A_367 : vector<512x128xf32>
    %min3A_537 = arith.minimumf %add3A_357, %add3A_367 : vector<512x128xf32>
    %select_n3A_538 = arith.select %le3A_536, %broadcast_in_dim3A_359, %broadcast_in_dim3A_369 : vector<512x128xi1>, vector<512x128xi32>
    %le3A_539 = arith.cmpf ole, %add3A_377, %add3A_387 : vector<512x128xf32>
    %min3A_540 = arith.minimumf %add3A_377, %add3A_387 : vector<512x128xf32>
    %select_n3A_541 = arith.select %le3A_539, %broadcast_in_dim3A_379, %broadcast_in_dim3A_389 : vector<512x128xi1>, vector<512x128xi32>
    %le3A_542 = arith.cmpf ole, %add3A_397, %add3A_407 : vector<512x128xf32>
    %min3A_543 = arith.minimumf %add3A_397, %add3A_407 : vector<512x128xf32>
    %select_n3A_544 = arith.select %le3A_542, %broadcast_in_dim3A_399, %broadcast_in_dim3A_409 : vector<512x128xi1>, vector<512x128xi32>
    %le3A_545 = arith.cmpf ole, %add3A_417, %add3A_427 : vector<512x128xf32>
    %min3A_546 = arith.minimumf %add3A_417, %add3A_427 : vector<512x128xf32>
    %select_n3A_547 = arith.select %le3A_545, %broadcast_in_dim3A_419, %broadcast_in_dim3A_429 : vector<512x128xi1>, vector<512x128xi32>
    %le3A_548 = arith.cmpf ole, %add3A_437, %add3A_447 : vector<512x128xf32>
    %min3A_549 = arith.minimumf %add3A_437, %add3A_447 : vector<512x128xf32>
    %select_n3A_550 = arith.select %le3A_548, %broadcast_in_dim3A_439, %broadcast_in_dim3A_449 : vector<512x128xi1>, vector<512x128xi32>
    %le3A_551 = arith.cmpf ole, %add3A_457, %add3A_467 : vector<512x128xf32>
    %min3A_552 = arith.minimumf %add3A_457, %add3A_467 : vector<512x128xf32>
    %select_n3A_553 = arith.select %le3A_551, %broadcast_in_dim3A_459, %broadcast_in_dim3A_469 : vector<512x128xi1>, vector<512x128xi32>
    %le3A_554 = arith.cmpf ole, %add3A_477, %add3A_487 : vector<512x128xf32>
    %min3A_555 = arith.minimumf %add3A_477, %add3A_487 : vector<512x128xf32>
    %select_n3A_556 = arith.select %le3A_554, %broadcast_in_dim3A_479, %broadcast_in_dim3A_489 : vector<512x128xi1>, vector<512x128xi32>
    %le3A_557 = arith.cmpf ole, %add3A_497, %add3A_507 : vector<512x128xf32>
    %min3A_558 = arith.minimumf %add3A_497, %add3A_507 : vector<512x128xf32>
    %select_n3A_559 = arith.select %le3A_557, %broadcast_in_dim3A_499, %broadcast_in_dim3A_509 : vector<512x128xi1>, vector<512x128xi32>
    %le3A_560 = arith.cmpf ole, %add3A_517, %add3A_527 : vector<512x128xf32>
    %min3A_561 = arith.minimumf %add3A_517, %add3A_527 : vector<512x128xf32>
    %select_n3A_562 = arith.select %le3A_560, %broadcast_in_dim3A_519, %broadcast_in_dim3A_529 : vector<512x128xi1>, vector<512x128xi32>
    %le3A_563 = arith.cmpf ole, %min3A_531, %min3A_534 : vector<512x128xf32>
    %min3A_564 = arith.minimumf %min3A_531, %min3A_534 : vector<512x128xf32>
    %select_n3A_565 = arith.select %le3A_563, %select_n3A_532, %select_n3A_535 : vector<512x128xi1>, vector<512x128xi32>
    %le3A_566 = arith.cmpf ole, %min3A_537, %min3A_540 : vector<512x128xf32>
    %min3A_567 = arith.minimumf %min3A_537, %min3A_540 : vector<512x128xf32>
    %select_n3A_568 = arith.select %le3A_566, %select_n3A_538, %select_n3A_541 : vector<512x128xi1>, vector<512x128xi32>
    %le3A_569 = arith.cmpf ole, %min3A_543, %min3A_546 : vector<512x128xf32>
    %min3A_570 = arith.minimumf %min3A_543, %min3A_546 : vector<512x128xf32>
    %select_n3A_571 = arith.select %le3A_569, %select_n3A_544, %select_n3A_547 : vector<512x128xi1>, vector<512x128xi32>
    %le3A_572 = arith.cmpf ole, %min3A_549, %min3A_552 : vector<512x128xf32>
    %min3A_573 = arith.minimumf %min3A_549, %min3A_552 : vector<512x128xf32>
    %select_n3A_574 = arith.select %le3A_572, %select_n3A_550, %select_n3A_553 : vector<512x128xi1>, vector<512x128xi32>
    %le3A_575 = arith.cmpf ole, %min3A_555, %min3A_558 : vector<512x128xf32>
    %min3A_576 = arith.minimumf %min3A_555, %min3A_558 : vector<512x128xf32>
    %select_n3A_577 = arith.select %le3A_575, %select_n3A_556, %select_n3A_559 : vector<512x128xi1>, vector<512x128xi32>
    %le3A_578 = arith.cmpf ole, %min3A_564, %min3A_567 : vector<512x128xf32>
    %min3A_579 = arith.minimumf %min3A_564, %min3A_567 : vector<512x128xf32>
    %select_n3A_580 = arith.select %le3A_578, %select_n3A_565, %select_n3A_568 : vector<512x128xi1>, vector<512x128xi32>
    %le3A_581 = arith.cmpf ole, %min3A_570, %min3A_573 : vector<512x128xf32>
    %min3A_582 = arith.minimumf %min3A_570, %min3A_573 : vector<512x128xf32>
    %select_n3A_583 = arith.select %le3A_581, %select_n3A_571, %select_n3A_574 : vector<512x128xi1>, vector<512x128xi32>
    %le3A_584 = arith.cmpf ole, %min3A_576, %min3A_561 : vector<512x128xf32>
    %min3A_585 = arith.minimumf %min3A_576, %min3A_561 : vector<512x128xf32>
    %select_n3A_586 = arith.select %le3A_584, %select_n3A_577, %select_n3A_562 : vector<512x128xi1>, vector<512x128xi32>
    %le3A_587 = arith.cmpf ole, %min3A_579, %min3A_582 : vector<512x128xf32>
    %min3A_588 = arith.minimumf %min3A_579, %min3A_582 : vector<512x128xf32>
    %select_n3A_589 = arith.select %le3A_587, %select_n3A_580, %select_n3A_583 : vector<512x128xi1>, vector<512x128xi32>
    %le3A_590 = arith.cmpf ole, %min3A_588, %min3A_585 : vector<512x128xf32>
    %min3A_591 = arith.minimumf %min3A_588, %min3A_585 : vector<512x128xf32>
    %select_n3A_592 = arith.select %le3A_590, %select_n3A_589, %select_n3A_586 : vector<512x128xi1>, vector<512x128xi32>
    %reduce_min3A_593 = arith.constant dense<0x7F800000> : vector<512xf32>
    %reduce_min3A_594 = vector.multi_reduction <minimumf>, %min3A_591, %reduce_min3A_593 [1] : vector<512x128xf32> to vector<512xf32>
    %broadcast_in_dim3A_595 = vector.shape_cast %reduce_min3A_594 : vector<512xf32> to vector<512x1xf32>
    %mul3A_596 = arith.constant 128 : i32
    %mul3A_597 = vector.broadcast %mul3A_596 : i32 to vector<512x128xi32>
    %mul3A_598 = arith.muli %select_n3A_592, %mul3A_597 : vector<512x128xi32>
    %add3A_599 = arith.addi %mul3A_598, %iota3A : vector<512x128xi32>
    %eq3A_600 = vector.broadcast %broadcast_in_dim3A_595 : vector<512x1xf32> to vector<512x128xf32>
    %eq3A_601 = arith.cmpf oeq, %min3A_591, %eq3A_600 : vector<512x128xf32>
    %jit3A_602 = arith.constant 2816 : i32
    %broadcast_in_dim3A_603 = vector.broadcast %jit3A_602 : i32 to vector<512x128xi32>
    %select_n3A_604 = arith.select %eq3A_601, %add3A_599, %broadcast_in_dim3A_603 : vector<512x128xi1>, vector<512x128xi32>
    %reduce_min3A_605 = arith.constant dense<2147483647> : vector<512xi32>
    %reduce_min3A_606 = vector.multi_reduction <minsi>, %select_n3A_604, %reduce_min3A_605 [1] : vector<512x128xi32> to vector<512xi32>
    %broadcast_in_dim3A_607 = vector.shape_cast %reduce_min3A_606 : vector<512xi32> to vector<512x1xi32>
    %add3A_608 = arith.constant 2736 : i32
    %add3A_609 = vector.broadcast %add3A_608 : i32 to vector<512x1xi32>
    %add3A_610 = arith.addi %broadcast_in_dim3A_607, %add3A_609 : vector<512x1xi32>
    %lt3A = arith.cmpf olt, %broadcast_in_dim3A_595, %convert_element_type3A_304 : vector<512x1xf32>
    %select_n3A_611 = arith.select %lt3A, %add3A_610, %add3A_302 : vector<512x1xi1>, vector<512x1xi32>
    %convert_element_type3A_612 = arith.truncf %broadcast_in_dim3A_595 : vector<512x1xf32> to vector<512x1xbf16>
    %convert_element_type3A_613 = arith.extf %convert_element_type3A_612 : vector<512x1xbf16> to vector<512x1xf32>
    %select_n3A_614 = arith.select %lt3A, %convert_element_type3A_613, %convert_element_type3A_304 : vector<512x1xi1>, vector<512x1xf32>
    %min3A_615 = arith.minimumf %broadcast_in_dim3A_289, %broadcast_in_dim3A_595 : vector<512x1xf32>
    %get3A_616 = arith.constant 5632 : index
    %get3A_617 = arith.constant 0 : index
    %get3A_618 = vector.load %arg3[%get3A_616, %get3A_617] : memref<8448x256xbf16, #tpu.memory_space<vmem>>, vector<2816x256xbf16>
    %dot_general3A_619 = arith.constant dense<0.000000e+00> : vector<512x2816xf32>
    %dot_general3A_620 = tpu.matmul %convert_element_type3A, %get3A_618, %dot_general3A_619 {dimension_numbers = #tpu.dot_dimension_numbers<[1], [1], [0], [0], [0, 0, 1, 0], [], []>, transpose_lhs_hint = false} : vector<512x256xbf16>, vector<2816x256xbf16>, vector<512x2816xf32> -> vector<512x2816xf32>
    %get3A_621 = arith.constant 0 : index
    %get3A_622 = arith.constant 5632 : index
    %get3A_623 = vector.load %arg4[%get3A_621, %get3A_622] : memref<1x8448xf32, #tpu.memory_space<vmem>>, vector<1x128xf32>
    %add3A_624 = vector.broadcast %get3A_4 : vector<512x1xf32> to vector<512x128xf32>
    %add3A_625 = vector.broadcast %get3A_623 : vector<1x128xf32> to vector<512x128xf32>
    %add3A_626 = arith.addf %add3A_624, %add3A_625 : vector<512x128xf32>
    %slice3A_627 = vector.extract_strided_slice %dot_general3A_620 {offsets = [0, 0], sizes = [512, 128], strides = [1, 1]} : vector<512x2816xf32> to vector<512x128xf32>
    %add3A_628 = arith.addf %add3A_626, %slice3A_627 : vector<512x128xf32>
    %broadcast_in_dim3A_629 = arith.constant 0 : i32
    %broadcast_in_dim3A_630 = vector.broadcast %broadcast_in_dim3A_629 : i32 to vector<512x128xi32>
    %get3A_631 = arith.constant 0 : index
    %get3A_632 = arith.constant 5760 : index
    %get3A_633 = vector.load %arg4[%get3A_631, %get3A_632] : memref<1x8448xf32, #tpu.memory_space<vmem>>, vector<1x128xf32>
    %add3A_634 = vector.broadcast %get3A_4 : vector<512x1xf32> to vector<512x128xf32>
    %add3A_635 = vector.broadcast %get3A_633 : vector<1x128xf32> to vector<512x128xf32>
    %add3A_636 = arith.addf %add3A_634, %add3A_635 : vector<512x128xf32>
    %slice3A_637 = vector.extract_strided_slice %dot_general3A_620 {offsets = [0, 128], sizes = [512, 128], strides = [1, 1]} : vector<512x2816xf32> to vector<512x128xf32>
    %add3A_638 = arith.addf %add3A_636, %slice3A_637 : vector<512x128xf32>
    %broadcast_in_dim3A_639 = arith.constant 1 : i32
    %broadcast_in_dim3A_640 = vector.broadcast %broadcast_in_dim3A_639 : i32 to vector<512x128xi32>
    %get3A_641 = arith.constant 0 : index
    %get3A_642 = arith.constant 5888 : index
    %get3A_643 = vector.load %arg4[%get3A_641, %get3A_642] : memref<1x8448xf32, #tpu.memory_space<vmem>>, vector<1x128xf32>
    %add3A_644 = vector.broadcast %get3A_4 : vector<512x1xf32> to vector<512x128xf32>
    %add3A_645 = vector.broadcast %get3A_643 : vector<1x128xf32> to vector<512x128xf32>
    %add3A_646 = arith.addf %add3A_644, %add3A_645 : vector<512x128xf32>
    %slice3A_647 = vector.extract_strided_slice %dot_general3A_620 {offsets = [0, 256], sizes = [512, 128], strides = [1, 1]} : vector<512x2816xf32> to vector<512x128xf32>
    %add3A_648 = arith.addf %add3A_646, %slice3A_647 : vector<512x128xf32>
    %broadcast_in_dim3A_649 = arith.constant 2 : i32
    %broadcast_in_dim3A_650 = vector.broadcast %broadcast_in_dim3A_649 : i32 to vector<512x128xi32>
    %get3A_651 = arith.constant 0 : index
    %get3A_652 = arith.constant 6016 : index
    %get3A_653 = vector.load %arg4[%get3A_651, %get3A_652] : memref<1x8448xf32, #tpu.memory_space<vmem>>, vector<1x128xf32>
    %add3A_654 = vector.broadcast %get3A_4 : vector<512x1xf32> to vector<512x128xf32>
    %add3A_655 = vector.broadcast %get3A_653 : vector<1x128xf32> to vector<512x128xf32>
    %add3A_656 = arith.addf %add3A_654, %add3A_655 : vector<512x128xf32>
    %slice3A_657 = vector.extract_strided_slice %dot_general3A_620 {offsets = [0, 384], sizes = [512, 128], strides = [1, 1]} : vector<512x2816xf32> to vector<512x128xf32>
    %add3A_658 = arith.addf %add3A_656, %slice3A_657 : vector<512x128xf32>
    %broadcast_in_dim3A_659 = arith.constant 3 : i32
    %broadcast_in_dim3A_660 = vector.broadcast %broadcast_in_dim3A_659 : i32 to vector<512x128xi32>
    %get3A_661 = arith.constant 0 : index
    %get3A_662 = arith.constant 6144 : index
    %get3A_663 = vector.load %arg4[%get3A_661, %get3A_662] : memref<1x8448xf32, #tpu.memory_space<vmem>>, vector<1x128xf32>
    %add3A_664 = vector.broadcast %get3A_4 : vector<512x1xf32> to vector<512x128xf32>
    %add3A_665 = vector.broadcast %get3A_663 : vector<1x128xf32> to vector<512x128xf32>
    %add3A_666 = arith.addf %add3A_664, %add3A_665 : vector<512x128xf32>
    %slice3A_667 = vector.extract_strided_slice %dot_general3A_620 {offsets = [0, 512], sizes = [512, 128], strides = [1, 1]} : vector<512x2816xf32> to vector<512x128xf32>
    %add3A_668 = arith.addf %add3A_666, %slice3A_667 : vector<512x128xf32>
    %broadcast_in_dim3A_669 = arith.constant 4 : i32
    %broadcast_in_dim3A_670 = vector.broadcast %broadcast_in_dim3A_669 : i32 to vector<512x128xi32>
    %get3A_671 = arith.constant 0 : index
    %get3A_672 = arith.constant 6272 : index
    %get3A_673 = vector.load %arg4[%get3A_671, %get3A_672] : memref<1x8448xf32, #tpu.memory_space<vmem>>, vector<1x128xf32>
    %add3A_674 = vector.broadcast %get3A_4 : vector<512x1xf32> to vector<512x128xf32>
    %add3A_675 = vector.broadcast %get3A_673 : vector<1x128xf32> to vector<512x128xf32>
    %add3A_676 = arith.addf %add3A_674, %add3A_675 : vector<512x128xf32>
    %slice3A_677 = vector.extract_strided_slice %dot_general3A_620 {offsets = [0, 640], sizes = [512, 128], strides = [1, 1]} : vector<512x2816xf32> to vector<512x128xf32>
    %add3A_678 = arith.addf %add3A_676, %slice3A_677 : vector<512x128xf32>
    %broadcast_in_dim3A_679 = arith.constant 5 : i32
    %broadcast_in_dim3A_680 = vector.broadcast %broadcast_in_dim3A_679 : i32 to vector<512x128xi32>
    %get3A_681 = arith.constant 0 : index
    %get3A_682 = arith.constant 6400 : index
    %get3A_683 = vector.load %arg4[%get3A_681, %get3A_682] : memref<1x8448xf32, #tpu.memory_space<vmem>>, vector<1x128xf32>
    %add3A_684 = vector.broadcast %get3A_4 : vector<512x1xf32> to vector<512x128xf32>
    %add3A_685 = vector.broadcast %get3A_683 : vector<1x128xf32> to vector<512x128xf32>
    %add3A_686 = arith.addf %add3A_684, %add3A_685 : vector<512x128xf32>
    %slice3A_687 = vector.extract_strided_slice %dot_general3A_620 {offsets = [0, 768], sizes = [512, 128], strides = [1, 1]} : vector<512x2816xf32> to vector<512x128xf32>
    %add3A_688 = arith.addf %add3A_686, %slice3A_687 : vector<512x128xf32>
    %broadcast_in_dim3A_689 = arith.constant 6 : i32
    %broadcast_in_dim3A_690 = vector.broadcast %broadcast_in_dim3A_689 : i32 to vector<512x128xi32>
    %get3A_691 = arith.constant 0 : index
    %get3A_692 = arith.constant 6528 : index
    %get3A_693 = vector.load %arg4[%get3A_691, %get3A_692] : memref<1x8448xf32, #tpu.memory_space<vmem>>, vector<1x128xf32>
    %add3A_694 = vector.broadcast %get3A_4 : vector<512x1xf32> to vector<512x128xf32>
    %add3A_695 = vector.broadcast %get3A_693 : vector<1x128xf32> to vector<512x128xf32>
    %add3A_696 = arith.addf %add3A_694, %add3A_695 : vector<512x128xf32>
    %slice3A_697 = vector.extract_strided_slice %dot_general3A_620 {offsets = [0, 896], sizes = [512, 128], strides = [1, 1]} : vector<512x2816xf32> to vector<512x128xf32>
    %add3A_698 = arith.addf %add3A_696, %slice3A_697 : vector<512x128xf32>
    %broadcast_in_dim3A_699 = arith.constant 7 : i32
    %broadcast_in_dim3A_700 = vector.broadcast %broadcast_in_dim3A_699 : i32 to vector<512x128xi32>
    %get3A_701 = arith.constant 0 : index
    %get3A_702 = arith.constant 6656 : index
    %get3A_703 = vector.load %arg4[%get3A_701, %get3A_702] : memref<1x8448xf32, #tpu.memory_space<vmem>>, vector<1x128xf32>
    %add3A_704 = vector.broadcast %get3A_4 : vector<512x1xf32> to vector<512x128xf32>
    %add3A_705 = vector.broadcast %get3A_703 : vector<1x128xf32> to vector<512x128xf32>
    %add3A_706 = arith.addf %add3A_704, %add3A_705 : vector<512x128xf32>
    %slice3A_707 = vector.extract_strided_slice %dot_general3A_620 {offsets = [0, 1024], sizes = [512, 128], strides = [1, 1]} : vector<512x2816xf32> to vector<512x128xf32>
    %add3A_708 = arith.addf %add3A_706, %slice3A_707 : vector<512x128xf32>
    %broadcast_in_dim3A_709 = arith.constant 8 : i32
    %broadcast_in_dim3A_710 = vector.broadcast %broadcast_in_dim3A_709 : i32 to vector<512x128xi32>
    %get3A_711 = arith.constant 0 : index
    %get3A_712 = arith.constant 6784 : index
    %get3A_713 = vector.load %arg4[%get3A_711, %get3A_712] : memref<1x8448xf32, #tpu.memory_space<vmem>>, vector<1x128xf32>
    %add3A_714 = vector.broadcast %get3A_4 : vector<512x1xf32> to vector<512x128xf32>
    %add3A_715 = vector.broadcast %get3A_713 : vector<1x128xf32> to vector<512x128xf32>
    %add3A_716 = arith.addf %add3A_714, %add3A_715 : vector<512x128xf32>
    %slice3A_717 = vector.extract_strided_slice %dot_general3A_620 {offsets = [0, 1152], sizes = [512, 128], strides = [1, 1]} : vector<512x2816xf32> to vector<512x128xf32>
    %add3A_718 = arith.addf %add3A_716, %slice3A_717 : vector<512x128xf32>
    %broadcast_in_dim3A_719 = arith.constant 9 : i32
    %broadcast_in_dim3A_720 = vector.broadcast %broadcast_in_dim3A_719 : i32 to vector<512x128xi32>
    %get3A_721 = arith.constant 0 : index
    %get3A_722 = arith.constant 6912 : index
    %get3A_723 = vector.load %arg4[%get3A_721, %get3A_722] : memref<1x8448xf32, #tpu.memory_space<vmem>>, vector<1x128xf32>
    %add3A_724 = vector.broadcast %get3A_4 : vector<512x1xf32> to vector<512x128xf32>
    %add3A_725 = vector.broadcast %get3A_723 : vector<1x128xf32> to vector<512x128xf32>
    %add3A_726 = arith.addf %add3A_724, %add3A_725 : vector<512x128xf32>
    %slice3A_727 = vector.extract_strided_slice %dot_general3A_620 {offsets = [0, 1280], sizes = [512, 128], strides = [1, 1]} : vector<512x2816xf32> to vector<512x128xf32>
    %add3A_728 = arith.addf %add3A_726, %slice3A_727 : vector<512x128xf32>
    %broadcast_in_dim3A_729 = arith.constant 10 : i32
    %broadcast_in_dim3A_730 = vector.broadcast %broadcast_in_dim3A_729 : i32 to vector<512x128xi32>
    %get3A_731 = arith.constant 0 : index
    %get3A_732 = arith.constant 7040 : index
    %get3A_733 = vector.load %arg4[%get3A_731, %get3A_732] : memref<1x8448xf32, #tpu.memory_space<vmem>>, vector<1x128xf32>
    %add3A_734 = vector.broadcast %get3A_4 : vector<512x1xf32> to vector<512x128xf32>
    %add3A_735 = vector.broadcast %get3A_733 : vector<1x128xf32> to vector<512x128xf32>
    %add3A_736 = arith.addf %add3A_734, %add3A_735 : vector<512x128xf32>
    %slice3A_737 = vector.extract_strided_slice %dot_general3A_620 {offsets = [0, 1408], sizes = [512, 128], strides = [1, 1]} : vector<512x2816xf32> to vector<512x128xf32>
    %add3A_738 = arith.addf %add3A_736, %slice3A_737 : vector<512x128xf32>
    %broadcast_in_dim3A_739 = arith.constant 11 : i32
    %broadcast_in_dim3A_740 = vector.broadcast %broadcast_in_dim3A_739 : i32 to vector<512x128xi32>
    %get3A_741 = arith.constant 0 : index
    %get3A_742 = arith.constant 7168 : index
    %get3A_743 = vector.load %arg4[%get3A_741, %get3A_742] : memref<1x8448xf32, #tpu.memory_space<vmem>>, vector<1x128xf32>
    %add3A_744 = vector.broadcast %get3A_4 : vector<512x1xf32> to vector<512x128xf32>
    %add3A_745 = vector.broadcast %get3A_743 : vector<1x128xf32> to vector<512x128xf32>
    %add3A_746 = arith.addf %add3A_744, %add3A_745 : vector<512x128xf32>
    %slice3A_747 = vector.extract_strided_slice %dot_general3A_620 {offsets = [0, 1536], sizes = [512, 128], strides = [1, 1]} : vector<512x2816xf32> to vector<512x128xf32>
    %add3A_748 = arith.addf %add3A_746, %slice3A_747 : vector<512x128xf32>
    %broadcast_in_dim3A_749 = arith.constant 12 : i32
    %broadcast_in_dim3A_750 = vector.broadcast %broadcast_in_dim3A_749 : i32 to vector<512x128xi32>
    %get3A_751 = arith.constant 0 : index
    %get3A_752 = arith.constant 7296 : index
    %get3A_753 = vector.load %arg4[%get3A_751, %get3A_752] : memref<1x8448xf32, #tpu.memory_space<vmem>>, vector<1x128xf32>
    %add3A_754 = vector.broadcast %get3A_4 : vector<512x1xf32> to vector<512x128xf32>
    %add3A_755 = vector.broadcast %get3A_753 : vector<1x128xf32> to vector<512x128xf32>
    %add3A_756 = arith.addf %add3A_754, %add3A_755 : vector<512x128xf32>
    %slice3A_757 = vector.extract_strided_slice %dot_general3A_620 {offsets = [0, 1664], sizes = [512, 128], strides = [1, 1]} : vector<512x2816xf32> to vector<512x128xf32>
    %add3A_758 = arith.addf %add3A_756, %slice3A_757 : vector<512x128xf32>
    %broadcast_in_dim3A_759 = arith.constant 13 : i32
    %broadcast_in_dim3A_760 = vector.broadcast %broadcast_in_dim3A_759 : i32 to vector<512x128xi32>
    %get3A_761 = arith.constant 0 : index
    %get3A_762 = arith.constant 7424 : index
    %get3A_763 = vector.load %arg4[%get3A_761, %get3A_762] : memref<1x8448xf32, #tpu.memory_space<vmem>>, vector<1x128xf32>
    %add3A_764 = vector.broadcast %get3A_4 : vector<512x1xf32> to vector<512x128xf32>
    %add3A_765 = vector.broadcast %get3A_763 : vector<1x128xf32> to vector<512x128xf32>
    %add3A_766 = arith.addf %add3A_764, %add3A_765 : vector<512x128xf32>
    %slice3A_767 = vector.extract_strided_slice %dot_general3A_620 {offsets = [0, 1792], sizes = [512, 128], strides = [1, 1]} : vector<512x2816xf32> to vector<512x128xf32>
    %add3A_768 = arith.addf %add3A_766, %slice3A_767 : vector<512x128xf32>
    %broadcast_in_dim3A_769 = arith.constant 14 : i32
    %broadcast_in_dim3A_770 = vector.broadcast %broadcast_in_dim3A_769 : i32 to vector<512x128xi32>
    %get3A_771 = arith.constant 0 : index
    %get3A_772 = arith.constant 7552 : index
    %get3A_773 = vector.load %arg4[%get3A_771, %get3A_772] : memref<1x8448xf32, #tpu.memory_space<vmem>>, vector<1x128xf32>
    %add3A_774 = vector.broadcast %get3A_4 : vector<512x1xf32> to vector<512x128xf32>
    %add3A_775 = vector.broadcast %get3A_773 : vector<1x128xf32> to vector<512x128xf32>
    %add3A_776 = arith.addf %add3A_774, %add3A_775 : vector<512x128xf32>
    %slice3A_777 = vector.extract_strided_slice %dot_general3A_620 {offsets = [0, 1920], sizes = [512, 128], strides = [1, 1]} : vector<512x2816xf32> to vector<512x128xf32>
    %add3A_778 = arith.addf %add3A_776, %slice3A_777 : vector<512x128xf32>
    %broadcast_in_dim3A_779 = arith.constant 15 : i32
    %broadcast_in_dim3A_780 = vector.broadcast %broadcast_in_dim3A_779 : i32 to vector<512x128xi32>
    %get3A_781 = arith.constant 0 : index
    %get3A_782 = arith.constant 7680 : index
    %get3A_783 = vector.load %arg4[%get3A_781, %get3A_782] : memref<1x8448xf32, #tpu.memory_space<vmem>>, vector<1x128xf32>
    %add3A_784 = vector.broadcast %get3A_4 : vector<512x1xf32> to vector<512x128xf32>
    %add3A_785 = vector.broadcast %get3A_783 : vector<1x128xf32> to vector<512x128xf32>
    %add3A_786 = arith.addf %add3A_784, %add3A_785 : vector<512x128xf32>
    %slice3A_787 = vector.extract_strided_slice %dot_general3A_620 {offsets = [0, 2048], sizes = [512, 128], strides = [1, 1]} : vector<512x2816xf32> to vector<512x128xf32>
    %add3A_788 = arith.addf %add3A_786, %slice3A_787 : vector<512x128xf32>
    %broadcast_in_dim3A_789 = arith.constant 16 : i32
    %broadcast_in_dim3A_790 = vector.broadcast %broadcast_in_dim3A_789 : i32 to vector<512x128xi32>
    %get3A_791 = arith.constant 0 : index
    %get3A_792 = arith.constant 7808 : index
    %get3A_793 = vector.load %arg4[%get3A_791, %get3A_792] : memref<1x8448xf32, #tpu.memory_space<vmem>>, vector<1x128xf32>
    %add3A_794 = vector.broadcast %get3A_4 : vector<512x1xf32> to vector<512x128xf32>
    %add3A_795 = vector.broadcast %get3A_793 : vector<1x128xf32> to vector<512x128xf32>
    %add3A_796 = arith.addf %add3A_794, %add3A_795 : vector<512x128xf32>
    %slice3A_797 = vector.extract_strided_slice %dot_general3A_620 {offsets = [0, 2176], sizes = [512, 128], strides = [1, 1]} : vector<512x2816xf32> to vector<512x128xf32>
    %add3A_798 = arith.addf %add3A_796, %slice3A_797 : vector<512x128xf32>
    %broadcast_in_dim3A_799 = arith.constant 17 : i32
    %broadcast_in_dim3A_800 = vector.broadcast %broadcast_in_dim3A_799 : i32 to vector<512x128xi32>
    %get3A_801 = arith.constant 0 : index
    %get3A_802 = arith.constant 7936 : index
    %get3A_803 = vector.load %arg4[%get3A_801, %get3A_802] : memref<1x8448xf32, #tpu.memory_space<vmem>>, vector<1x128xf32>
    %add3A_804 = vector.broadcast %get3A_4 : vector<512x1xf32> to vector<512x128xf32>
    %add3A_805 = vector.broadcast %get3A_803 : vector<1x128xf32> to vector<512x128xf32>
    %add3A_806 = arith.addf %add3A_804, %add3A_805 : vector<512x128xf32>
    %slice3A_807 = vector.extract_strided_slice %dot_general3A_620 {offsets = [0, 2304], sizes = [512, 128], strides = [1, 1]} : vector<512x2816xf32> to vector<512x128xf32>
    %add3A_808 = arith.addf %add3A_806, %slice3A_807 : vector<512x128xf32>
    %broadcast_in_dim3A_809 = arith.constant 18 : i32
    %broadcast_in_dim3A_810 = vector.broadcast %broadcast_in_dim3A_809 : i32 to vector<512x128xi32>
    %get3A_811 = arith.constant 0 : index
    %get3A_812 = arith.constant 8064 : index
    %get3A_813 = vector.load %arg4[%get3A_811, %get3A_812] : memref<1x8448xf32, #tpu.memory_space<vmem>>, vector<1x128xf32>
    %add3A_814 = vector.broadcast %get3A_4 : vector<512x1xf32> to vector<512x128xf32>
    %add3A_815 = vector.broadcast %get3A_813 : vector<1x128xf32> to vector<512x128xf32>
    %add3A_816 = arith.addf %add3A_814, %add3A_815 : vector<512x128xf32>
    %slice3A_817 = vector.extract_strided_slice %dot_general3A_620 {offsets = [0, 2432], sizes = [512, 128], strides = [1, 1]} : vector<512x2816xf32> to vector<512x128xf32>
    %add3A_818 = arith.addf %add3A_816, %slice3A_817 : vector<512x128xf32>
    %broadcast_in_dim3A_819 = arith.constant 19 : i32
    %broadcast_in_dim3A_820 = vector.broadcast %broadcast_in_dim3A_819 : i32 to vector<512x128xi32>
    %get3A_821 = arith.constant 0 : index
    %get3A_822 = arith.constant 8192 : index
    %get3A_823 = vector.load %arg4[%get3A_821, %get3A_822] : memref<1x8448xf32, #tpu.memory_space<vmem>>, vector<1x128xf32>
    %add3A_824 = vector.broadcast %get3A_4 : vector<512x1xf32> to vector<512x128xf32>
    %add3A_825 = vector.broadcast %get3A_823 : vector<1x128xf32> to vector<512x128xf32>
    %add3A_826 = arith.addf %add3A_824, %add3A_825 : vector<512x128xf32>
    %slice3A_827 = vector.extract_strided_slice %dot_general3A_620 {offsets = [0, 2560], sizes = [512, 128], strides = [1, 1]} : vector<512x2816xf32> to vector<512x128xf32>
    %add3A_828 = arith.addf %add3A_826, %slice3A_827 : vector<512x128xf32>
    %broadcast_in_dim3A_829 = arith.constant 20 : i32
    %broadcast_in_dim3A_830 = vector.broadcast %broadcast_in_dim3A_829 : i32 to vector<512x128xi32>
    %get3A_831 = arith.constant 0 : index
    %get3A_832 = arith.constant 8320 : index
    %get3A_833 = vector.load %arg4[%get3A_831, %get3A_832] : memref<1x8448xf32, #tpu.memory_space<vmem>>, vector<1x128xf32>
    %add3A_834 = vector.broadcast %get3A_4 : vector<512x1xf32> to vector<512x128xf32>
    %add3A_835 = vector.broadcast %get3A_833 : vector<1x128xf32> to vector<512x128xf32>
    %add3A_836 = arith.addf %add3A_834, %add3A_835 : vector<512x128xf32>
    %slice3A_837 = vector.extract_strided_slice %dot_general3A_620 {offsets = [0, 2688], sizes = [512, 128], strides = [1, 1]} : vector<512x2816xf32> to vector<512x128xf32>
    %add3A_838 = arith.addf %add3A_836, %slice3A_837 : vector<512x128xf32>
    %broadcast_in_dim3A_839 = arith.constant 21 : i32
    %broadcast_in_dim3A_840 = vector.broadcast %broadcast_in_dim3A_839 : i32 to vector<512x128xi32>
    %le3A_841 = arith.cmpf ole, %add3A_628, %add3A_638 : vector<512x128xf32>
    %min3A_842 = arith.minimumf %add3A_628, %add3A_638 : vector<512x128xf32>
    %select_n3A_843 = arith.select %le3A_841, %broadcast_in_dim3A_630, %broadcast_in_dim3A_640 : vector<512x128xi1>, vector<512x128xi32>
    %le3A_844 = arith.cmpf ole, %add3A_648, %add3A_658 : vector<512x128xf32>
    %min3A_845 = arith.minimumf %add3A_648, %add3A_658 : vector<512x128xf32>
    %select_n3A_846 = arith.select %le3A_844, %broadcast_in_dim3A_650, %broadcast_in_dim3A_660 : vector<512x128xi1>, vector<512x128xi32>
    %le3A_847 = arith.cmpf ole, %add3A_668, %add3A_678 : vector<512x128xf32>
    %min3A_848 = arith.minimumf %add3A_668, %add3A_678 : vector<512x128xf32>
    %select_n3A_849 = arith.select %le3A_847, %broadcast_in_dim3A_670, %broadcast_in_dim3A_680 : vector<512x128xi1>, vector<512x128xi32>
    %le3A_850 = arith.cmpf ole, %add3A_688, %add3A_698 : vector<512x128xf32>
    %min3A_851 = arith.minimumf %add3A_688, %add3A_698 : vector<512x128xf32>
    %select_n3A_852 = arith.select %le3A_850, %broadcast_in_dim3A_690, %broadcast_in_dim3A_700 : vector<512x128xi1>, vector<512x128xi32>
    %le3A_853 = arith.cmpf ole, %add3A_708, %add3A_718 : vector<512x128xf32>
    %min3A_854 = arith.minimumf %add3A_708, %add3A_718 : vector<512x128xf32>
    %select_n3A_855 = arith.select %le3A_853, %broadcast_in_dim3A_710, %broadcast_in_dim3A_720 : vector<512x128xi1>, vector<512x128xi32>
    %le3A_856 = arith.cmpf ole, %add3A_728, %add3A_738 : vector<512x128xf32>
    %min3A_857 = arith.minimumf %add3A_728, %add3A_738 : vector<512x128xf32>
    %select_n3A_858 = arith.select %le3A_856, %broadcast_in_dim3A_730, %broadcast_in_dim3A_740 : vector<512x128xi1>, vector<512x128xi32>
    %le3A_859 = arith.cmpf ole, %add3A_748, %add3A_758 : vector<512x128xf32>
    %min3A_860 = arith.minimumf %add3A_748, %add3A_758 : vector<512x128xf32>
    %select_n3A_861 = arith.select %le3A_859, %broadcast_in_dim3A_750, %broadcast_in_dim3A_760 : vector<512x128xi1>, vector<512x128xi32>
    %le3A_862 = arith.cmpf ole, %add3A_768, %add3A_778 : vector<512x128xf32>
    %min3A_863 = arith.minimumf %add3A_768, %add3A_778 : vector<512x128xf32>
    %select_n3A_864 = arith.select %le3A_862, %broadcast_in_dim3A_770, %broadcast_in_dim3A_780 : vector<512x128xi1>, vector<512x128xi32>
    %le3A_865 = arith.cmpf ole, %add3A_788, %add3A_798 : vector<512x128xf32>
    %min3A_866 = arith.minimumf %add3A_788, %add3A_798 : vector<512x128xf32>
    %select_n3A_867 = arith.select %le3A_865, %broadcast_in_dim3A_790, %broadcast_in_dim3A_800 : vector<512x128xi1>, vector<512x128xi32>
    %le3A_868 = arith.cmpf ole, %add3A_808, %add3A_818 : vector<512x128xf32>
    %min3A_869 = arith.minimumf %add3A_808, %add3A_818 : vector<512x128xf32>
    %select_n3A_870 = arith.select %le3A_868, %broadcast_in_dim3A_810, %broadcast_in_dim3A_820 : vector<512x128xi1>, vector<512x128xi32>
    %le3A_871 = arith.cmpf ole, %add3A_828, %add3A_838 : vector<512x128xf32>
    %min3A_872 = arith.minimumf %add3A_828, %add3A_838 : vector<512x128xf32>
    %select_n3A_873 = arith.select %le3A_871, %broadcast_in_dim3A_830, %broadcast_in_dim3A_840 : vector<512x128xi1>, vector<512x128xi32>
    %le3A_874 = arith.cmpf ole, %min3A_842, %min3A_845 : vector<512x128xf32>
    %min3A_875 = arith.minimumf %min3A_842, %min3A_845 : vector<512x128xf32>
    %select_n3A_876 = arith.select %le3A_874, %select_n3A_843, %select_n3A_846 : vector<512x128xi1>, vector<512x128xi32>
    %le3A_877 = arith.cmpf ole, %min3A_848, %min3A_851 : vector<512x128xf32>
    %min3A_878 = arith.minimumf %min3A_848, %min3A_851 : vector<512x128xf32>
    %select_n3A_879 = arith.select %le3A_877, %select_n3A_849, %select_n3A_852 : vector<512x128xi1>, vector<512x128xi32>
    %le3A_880 = arith.cmpf ole, %min3A_854, %min3A_857 : vector<512x128xf32>
    %min3A_881 = arith.minimumf %min3A_854, %min3A_857 : vector<512x128xf32>
    %select_n3A_882 = arith.select %le3A_880, %select_n3A_855, %select_n3A_858 : vector<512x128xi1>, vector<512x128xi32>
    %le3A_883 = arith.cmpf ole, %min3A_860, %min3A_863 : vector<512x128xf32>
    %min3A_884 = arith.minimumf %min3A_860, %min3A_863 : vector<512x128xf32>
    %select_n3A_885 = arith.select %le3A_883, %select_n3A_861, %select_n3A_864 : vector<512x128xi1>, vector<512x128xi32>
    %le3A_886 = arith.cmpf ole, %min3A_866, %min3A_869 : vector<512x128xf32>
    %min3A_887 = arith.minimumf %min3A_866, %min3A_869 : vector<512x128xf32>
    %select_n3A_888 = arith.select %le3A_886, %select_n3A_867, %select_n3A_870 : vector<512x128xi1>, vector<512x128xi32>
    %le3A_889 = arith.cmpf ole, %min3A_875, %min3A_878 : vector<512x128xf32>
    %min3A_890 = arith.minimumf %min3A_875, %min3A_878 : vector<512x128xf32>
    %select_n3A_891 = arith.select %le3A_889, %select_n3A_876, %select_n3A_879 : vector<512x128xi1>, vector<512x128xi32>
    %le3A_892 = arith.cmpf ole, %min3A_881, %min3A_884 : vector<512x128xf32>
    %min3A_893 = arith.minimumf %min3A_881, %min3A_884 : vector<512x128xf32>
    %select_n3A_894 = arith.select %le3A_892, %select_n3A_882, %select_n3A_885 : vector<512x128xi1>, vector<512x128xi32>
    %le3A_895 = arith.cmpf ole, %min3A_887, %min3A_872 : vector<512x128xf32>
    %min3A_896 = arith.minimumf %min3A_887, %min3A_872 : vector<512x128xf32>
    %select_n3A_897 = arith.select %le3A_895, %select_n3A_888, %select_n3A_873 : vector<512x128xi1>, vector<512x128xi32>
    %le3A_898 = arith.cmpf ole, %min3A_890, %min3A_893 : vector<512x128xf32>
    %min3A_899 = arith.minimumf %min3A_890, %min3A_893 : vector<512x128xf32>
    %select_n3A_900 = arith.select %le3A_898, %select_n3A_891, %select_n3A_894 : vector<512x128xi1>, vector<512x128xi32>
    %le3A_901 = arith.cmpf ole, %min3A_899, %min3A_896 : vector<512x128xf32>
    %min3A_902 = arith.minimumf %min3A_899, %min3A_896 : vector<512x128xf32>
    %select_n3A_903 = arith.select %le3A_901, %select_n3A_900, %select_n3A_897 : vector<512x128xi1>, vector<512x128xi32>
    %reduce_min3A_904 = arith.constant dense<0x7F800000> : vector<512xf32>
    %reduce_min3A_905 = vector.multi_reduction <minimumf>, %min3A_902, %reduce_min3A_904 [1] : vector<512x128xf32> to vector<512xf32>
    %broadcast_in_dim3A_906 = vector.shape_cast %reduce_min3A_905 : vector<512xf32> to vector<512x1xf32>
    %mul3A_907 = arith.constant 128 : i32
    %mul3A_908 = vector.broadcast %mul3A_907 : i32 to vector<512x128xi32>
    %mul3A_909 = arith.muli %select_n3A_903, %mul3A_908 : vector<512x128xi32>
    %add3A_910 = arith.addi %mul3A_909, %iota3A : vector<512x128xi32>
    %eq3A_911 = vector.broadcast %broadcast_in_dim3A_906 : vector<512x1xf32> to vector<512x128xf32>
    %eq3A_912 = arith.cmpf oeq, %min3A_902, %eq3A_911 : vector<512x128xf32>
    %jit3A_913 = arith.constant 2816 : i32
    %broadcast_in_dim3A_914 = vector.broadcast %jit3A_913 : i32 to vector<512x128xi32>
    %select_n3A_915 = arith.select %eq3A_912, %add3A_910, %broadcast_in_dim3A_914 : vector<512x128xi1>, vector<512x128xi32>
    %reduce_min3A_916 = arith.constant dense<2147483647> : vector<512xi32>
    %reduce_min3A_917 = vector.multi_reduction <minsi>, %select_n3A_915, %reduce_min3A_916 [1] : vector<512x128xi32> to vector<512xi32>
    %broadcast_in_dim3A_918 = vector.shape_cast %reduce_min3A_917 : vector<512xi32> to vector<512x1xi32>
    %add3A_919 = arith.constant 5472 : i32
    %add3A_920 = vector.broadcast %add3A_919 : i32 to vector<512x1xi32>
    %add3A_921 = arith.addi %broadcast_in_dim3A_918, %add3A_920 : vector<512x1xi32>
    %lt3A_922 = arith.cmpf olt, %broadcast_in_dim3A_906, %select_n3A_614 : vector<512x1xf32>
    %select_n3A_923 = arith.select %lt3A_922, %add3A_921, %select_n3A_611 : vector<512x1xi1>, vector<512x1xi32>
    %min3A_924 = arith.minimumf %min3A_615, %broadcast_in_dim3A_906 : vector<512x1xf32>
    %squeeze3A = vector.shape_cast %select_n3A_923 : vector<512x1xi32> to vector<512xi32>
    %swap3A = arith.constant 0 : index
    %swap3A_925 = arith.constant 0 : index
    %swap3A_926 = arith.constant 0 : index
    %swap3A_927 = vector.load %arg5[%swap3A, %swap3A_925, %swap3A_926] : memref<1x1x512xi32, #tpu.memory_space<vmem>>, vector<1x1x512xi32>
    %swap3A_928 = vector.shape_cast %swap3A_927 : vector<1x1x512xi32> to vector<512xi32>
    %swap3A_929 = vector.shape_cast %squeeze3A : vector<512xi32> to vector<1x1x512xi32>
    tpu.vector_store %arg5[%swap3A, %swap3A_925, %swap3A_926], %swap3A_929 {strides = array<i32>} : memref<1x1x512xi32, #tpu.memory_space<vmem>>, vector<1x1x512xi32>,
    %eq3A_930 = arith.constant 0 : i32
    %eq3A_931 = arith.cmpi eq, %arg0, %eq3A_930 : i32
    %convert_element_type3A_932 = arith.extui %eq3A_931 : i1 to i32
    %cond3A = arith.constant 0 : i32
    %cond3A_933 = arith.cmpi ne, %convert_element_type3A_932, %cond3A : i32
    scf.if %cond3A_933 {
      %broadcast_in_dim3A_945 = arith.constant 0.000000e+00 : f32
      %broadcast_in_dim3A_946 = vector.broadcast %broadcast_in_dim3A_945 : f32 to vector<1x1xf32>
      %swap3A_947 = arith.constant 0 : index
      %swap3A_948 = arith.constant 0 : index
      %swap3A_949 = vector.load %arg6[%swap3A_947, %swap3A_948] : memref<1x1xf32, #tpu.memory_space<vmem>>, vector<1x1xf32>
      tpu.vector_store %arg6[%swap3A_947, %swap3A_948], %broadcast_in_dim3A_946 {strides = array<i32>} : memref<1x1xf32, #tpu.memory_space<vmem>>, vector<1x1xf32>,
    } else {
    }
    %get3A_934 = arith.constant 0 : index
    %get3A_935 = arith.constant 0 : index
    %get3A_936 = vector.load %arg6[%get3A_934, %get3A_935] : memref<1x1xf32, #tpu.memory_space<vmem>>, vector<1x1xf32>
    %reduce_sum3A = vector.shape_cast %min3A_924 : vector<512x1xf32> to vector<1x512x1xf32>
    %reduce_sum3A_937 = arith.constant dense<0.000000e+00> : vector<1xf32>
    %reduce_sum3A_938 = vector.multi_reduction <add>, %reduce_sum3A, %reduce_sum3A_937 [1, 2] : vector<1x512x1xf32> to vector<1xf32>
    %reduce_sum3A_939 = vector.shape_cast %reduce_sum3A_938 : vector<1xf32> to vector<1x1x1xf32>
    %reduce_sum3A_940 = vector.extract %reduce_sum3A_939[0, 0, 0] : f32 from vector<1x1x1xf32>
    %reshape3A = vector.broadcast %reduce_sum3A_940 : f32 to vector<1x1xf32>
    %add3A_941 = arith.addf %get3A_936, %reshape3A : vector<1x1xf32>
    %swap3A_942 = arith.constant 0 : index
    %swap3A_943 = arith.constant 0 : index
    %swap3A_944 = vector.load %arg6[%swap3A_942, %swap3A_943] : memref<1x1xf32, #tpu.memory_space<vmem>>, vector<1x1xf32>
    tpu.vector_store %arg6[%swap3A_942, %swap3A_943], %add3A_941 {strides = array<i32>} : memref<1x1xf32, #tpu.memory_space<vmem>>, vector<1x1xf32>,
    return
  }
  func.func @transform_0(%arg0: i32) -> (i32, i32) {
    %c0_i32 = arith.constant 0 : i32
    %c0_i32_0 = arith.constant 0 : i32
    return %arg0, %c0_i32 : i32, i32
  }
  func.func @transform_1(%arg0: i32) -> (i32, i32) {
    %c0_i32 = arith.constant 0 : i32
    %c0_i32_0 = arith.constant 0 : i32
    return %arg0, %c0_i32 : i32, i32
  }
  func.func @transform_2(%arg0: i32) -> (i32, i32) {
    %c0_i32 = arith.constant 0 : i32
    %c0_i32_0 = arith.constant 0 : i32
    %c0_i32_1 = arith.constant 0 : i32
    return %c0_i32, %c0_i32_0 : i32, i32
  }
  func.func @transform_3(%arg0: i32) -> (i32, i32) {
    %c0_i32 = arith.constant 0 : i32
    %c0_i32_0 = arith.constant 0 : i32
    %c0_i32_1 = arith.constant 0 : i32
    return %c0_i32, %c0_i32_0 : i32, i32
  }
  func.func @transform_4(%arg0: i32) -> (i32, i32, i32) {
    %c0_i32 = arith.constant 0 : i32
    %c0_i32_0 = arith.constant 0 : i32
    %c0_i32_1 = arith.constant 0 : i32
    return %arg0, %c0_i32, %c0_i32_0 : i32, i32, i32
  }
  func.func @transform_5(%arg0: i32) -> (i32, i32) {
    %c0_i32 = arith.constant 0 : i32
    %c0_i32_0 = arith.constant 0 : i32
    %c0_i32_1 = arith.constant 0 : i32
    return %c0_i32, %c0_i32_0 : i32, i32
  }
}

</mosaic_0001>

<sc_bundles>
// kernel: kernel.4.cloned.1.call-start
scs
__scs_entry_jumppad:
0x0: {  	(pc) =	sbr.rel $0x88, $3  }
0x1: {  	(tag) =	ssettag $0x0;
	lr =	simm.s32 $0x1  }
0x2: {  	[smem:$0x3F9F] =	sst lr;
	_ =	strace $0xD0000000  }
0x3: {  	_ = 	snop  }
0x4: {  	_ = 	snop  }
0x5: {  	_ = 	snop  }
0x6: {  	_ = 	snop  }
0x7: {  	_ = 	snop  }
__scs_overlays_trampoline_lowered:
0x8: {  	[smem:$0x3FAE] =	sst s0  }
0x9: {  	[smem:$0x3FAF] =	sst s1  }
0xa: {  	[smem:$0x3FB0] =	sst s2  }
0xb: {  	[smem:$0x3FB1] =	sst s3  }
0xc: {  	[smem:$0x3FB2] =	sst s4  }
0xd: {  	[smem:$0x3FB3] =	sst s5  }
0xe: {  	[smem:$0x3FB4] =	sst s6  }
0xf: {  	[smem:$0x3FB5] =	sst s7  }
0x10: {  	[smem:$0x3FB6] =	sst s8  }
0x11: {  	[smem:$0x3FB7] =	sst s9;
	s0 =	simm.s32 @!p0 $0x0  }
0x12: {  	s1 =	sld [smem:$0x3F9D];
	s0 =	simm.s32 @p0 $0x1  }
0x13: {  	[smem:$0x3FB8] =	sst s0;
	s0 =	simm.s32 @!p1 $0x0  }
0x14: {  	s2 =	sld [smem:$0x3F9C];
	s0 =	simm.s32 @p1 $0x1  }
0x15: {  	[smem:$0x3FB9] =	sst s0;
	s0 =	simm.s32 @!p2 $0x0  }
0x16: {  	s3 =	sld [smem:$0x3FDB];
	s0 =	simm.s32 @p2 $0x1  }
0x17: {  	s4 =	simm.s32 $0x1BF5;
	[smem:$0x3FBB] =	sst s0  }
0x18: {  	s0 =	sld [smem:$0x3F9E];
	_ =	swait.ge [sflag:s4], $0x0  }
0x19: {  	s7 =	sld [smem:$0x3F9F]  }
0x1a: {  	s8 =	sadd.s32 $0xFFFFE003, lr  }
0x1b: {  	s9 =	sadd.s32 $0xFFFFFEF7, lr;
	s5 =	simm.s32 $0xFFFFFFFF;
	p2 =	slt.u32 s8, $0xFFFFF086  }
0x1c: {  	p1 =	slt.u32 s9, $0xF7A;
	s5 =	simm.s32 @!p2 $0x0  }
0x1d: {  	s5 =	simm.s32 @p1 $0x1;
	p0 =	seq.s32 s7, s2  }
0x1e: {  	s7 =	smul.u32 @!p0 $0xF7A, s2;
	p2 =	seq.s32 @!p0 s5, $0x0  }
0x1f: {  	s9 =	smul.u32 $0xF7A, s1;
	s8 =	simm.s32 @!p0 $0x1BF5;
	p2 =	por !p2, p0  }
0x20: {  	[sflag:s8] =	ssyncset.s32 @!p0 $0xFFFFF086;
	s6 =	sadd.s32 @!p0 s3, s7;
	s7 =	simm.s32 @!p0 $0x108  }
0x21: {  	s3 =	sadd.s32 s3, s9;
	s6 =	sadd.s32 @!p0 $0x88, s6;
	s7 =	simm.s32 @p2 $0x1082  }
0x22: {  	[simem:s7], [sflag:s8] =	dma.local @!p0 [hbm:s6], $0xF7A  }
0x23: {  	s9 =	sor.u32 $0xD0000000, s2;
	s6 =	simm.s32 $0x108;
	_ =	swait.ge @!p0 [sflag:s8], $0x0  }
0x24: {  	s3 =	sadd.s32 $0x88, s3;
	s6 =	simm.s32 @!p1 $0x1082;
	[sflag:s4] =	ssyncset.s32 $0xFFFFF086  }
0x25: {  	[simem:s6], [sflag:s4] =	dma.local [hbm:s3], $0xF7A  }
0x26: {  	[smem:$0x3F9F] =	sst s1;
	(tag) =	ssettag s2;
	_ =	strace s9  }
0x27: {  	s1 =	sld [smem:$0x3FAF]  }
0x28: {  	s2 =	sld [smem:$0x3FB0]  }
0x29: {  	s4 =	sld [smem:$0x3FB2]  }
0x2a: {  	p0 =	seq.s32 s5, $0x0;
	s5 =	sld [smem:$0x3FB3]  }
0x2b: {  	s6 =	sld [smem:$0x3FB4]  }
0x2c: {  	s7 =	sld [smem:$0x3FB5]  }
0x2d: {  	s3 =	simm.s32 $0x108;
	s8 =	sld [smem:$0x3FB6]  }
0x2e: {  	s3 =	simm.s32 @!p0 $0x1082;
	s9 =	sld [smem:$0x3FB7]  }
0x2f: {  	lr =	sadd.s32 s0, s3;
	s0 =	sld [smem:$0x3FAE]  }
0x30: {  	s3 =	sld [smem:$0x3FB1]  }
0x31: {  	[smem:$0x3FBA] =	sst s10  }
0x32: {  	s10 =	sld [smem:$0x3FB8];
	_ =	sdelay $0x3  }
0x33: {  	p0 =	seq.s32 s10, $0x1;
	s10 =	sld [smem:$0x3FBA];
	_ =	sdelay $0x3  }
0x34: {  	[smem:$0x3FBA] =	sst s10  }
0x35: {  	s10 =	sld [smem:$0x3FB9];
	_ =	sdelay $0x3  }
0x36: {  	p1 =	seq.s32 s10, $0x1;
	s10 =	sld [smem:$0x3FBA];
	_ =	sdelay $0x3  }
0x37: {  	[smem:$0x3FBA] =	sst s10  }
0x38: {  	s10 =	sld [smem:$0x3FBB]  }
0x39: {  	_ = 	snop;
	(pc) =	sbr.ind lr, $3  }
0x3a: {  	_ = 	snop  }
0x3b: {  	_ = 	snop  }
0x3c: {  	p2 =	seq.s32 s10, $0x1;
	s10 =	sld [smem:$0x3FBA]  }
0x3d: {  	_ =	shalt  }
0x3e: {  	_ =	shalt  }
0x3f: {  	_ =	shalt  }
0x40: {  	_ =	shalt  }
0x41: {  	_ =	shalt  }
0x42: {  	_ =	shalt  }
0x43: {  	_ =	shalt  }
0x44: {  	_ =	shalt  }
0x45: {  	_ =	shalt  }
0x46: {  	_ =	shalt  }
0x47: {  	_ =	shalt  }
0x48: {  	_ =	shalt  }
0x49: {  	_ =	shalt  }
0x4a: {  	_ =	shalt  }
0x4b: {  	_ =	shalt  }
0x4c: {  	_ =	shalt  }
0x4d: {  	_ =	shalt  }
0x4e: {  	_ =	shalt  }
0x4f: {  	_ =	shalt  }
0x50: {  	_ =	shalt  }
0x51: {  	_ =	shalt  }
0x52: {  	_ =	shalt  }
0x53: {  	_ =	shalt  }
0x54: {  	_ =	shalt  }
0x55: {  	_ =	shalt  }
0x56: {  	_ =	shalt  }
0x57: {  	_ =	shalt  }
0x58: {  	_ =	shalt  }
0x59: {  	_ =	shalt  }
0x5a: {  	_ =	shalt  }
0x5b: {  	_ =	shalt  }
0x5c: {  	_ =	shalt  }
0x5d: {  	_ =	shalt  }
0x5e: {  	_ =	shalt  }
0x5f: {  	_ =	shalt  }
0x60: {  	_ =	shalt  }
0x61: {  	_ =	shalt  }
0x62: {  	_ =	shalt  }
0x63: {  	_ =	shalt  }
0x64: {  	_ =	shalt  }
0x65: {  	_ =	shalt  }
0x66: {  	_ =	shalt  }
0x67: {  	_ =	shalt  }
0x68: {  	_ =	shalt  }
0x69: {  	_ =	shalt  }
0x6a: {  	_ =	shalt  }
0x6b: {  	_ =	shalt  }
0x6c: {  	_ =	shalt  }
0x6d: {  	_ =	shalt  }
0x6e: {  	_ =	shalt  }
0x6f: {  	_ =	shalt  }
0x70: {  	_ =	shalt  }
0x71: {  	_ =	shalt  }
0x72: {  	_ =	shalt  }
0x73: {  	_ =	shalt  }
0x74: {  	_ =	shalt  }
0x75: {  	_ =	shalt  }
0x76: {  	_ =	shalt  }
0x77: {  	_ =	shalt  }
0x78: {  	_ =	shalt  }
0x79: {  	_ =	shalt  }
0x7a: {  	_ =	shalt  }
0x7b: {  	_ =	shalt  }
0x7c: {  	_ =	shalt  }
0x7d: {  	_ =	shalt  }
0x7e: {  	_ =	shalt  }
0x7f: {  	_ =	shalt  }
0x80: {  	_ =	shalt  }
0x81: {  	_ =	shalt  }
0x82: {  	_ =	shalt  }
0x83: {  	_ =	shalt  }
0x84: {  	_ =	shalt  }
0x85: {  	_ =	shalt  }
0x86: {  	_ =	shalt  }
0x87: {  	_ =	shalt  }
.Lfunc_end0:
.L_simem_size_0:
called_computation_lowered:
.L_overlay_start_0:
0x88: {  	s2 =	sld [smem:$0x3FD9]  }
0x89: {  	s3 =	sld [smem:$0x3FFE];
	_ =	sdelay $0x1  }
0x8a: {  	s1 =	srdreg.scid  }
0x8b: {  	s0 =	sand.u32 $0x1, s1  }
0x8c: {  	s14 =	sshll.u32 s0, $0xA;
	s2 =	sadd.s32 s3, s2  }
0x8d: {  	s2 =	sadd.s32 s2, s14  }
0x8e: {  	[smem:$0x3FC6] =	sst s2  }
0x8f: {  	_ = 	snop  }
0x90: {  	s2 =	sld [smem:$0x3FD0];
	_ =	sdelay $0x2  }
0x91: {  	s4 =	simm.s32 $0xA;
	s5 =	simm.s32 $0x10;
	s15 =	sld [smem:$0x3FC8]  }
0x92: {  	[smem:s5], [sflag:s4] =	dma.local [hbm:s2], $0x1  }
0x93: {  	_ =	swait.eq [sflag:s4], $0x1  }
0x94: {  	[sflag:s4] =	ssyncset.done $0x0  }
0x95: {  	[sflag:s4] =	ssyncadd.s32 $0xFFFFFFFF  }
0x96: {  	s16 =	sld [smem:$0x10];
	(tm) =	ssettm $0x1  }
0x97: {  	s17 =	sld [smem:$0x3FFB];
	_ =	sdelay $0x3  }
0x98: {  	_ =	strace s17  }
0x99: {  	s4 =	sld [smem:$0x3FFC];
	_ =	sdelay $0x3  }
0x9a: {  	_ =	strace s4  }
0x9b: {  	s4 =	sld [smem:$0x3FFD];
	_ =	sdelay $0x3  }
0x9c: {  	_ =	strace s4  }
0x9d: {  	_ =	strace $0x8FFFFFFF  }
0x9e: {  	s18 =	sld [smem:$0x3FDB];
	_ =	sdelay $0x1  }
0x9f: {  	s19 =	simm.s32 $_scs_section_size  }
0xa0: {  	s6 =	simm.s32 $_size__tile_overlayer_lowered;
	s7 =	simm.s32 $_tile_overlayer_lowered  }
0xa1: {  	s22 =	simm.s32 $0x1BFF;
	s21 =	sshll.u32 s7, $0x1;
	s4 =	sadd.s32 s19, s18  }
0xa2: {  	s8 =	simm.s32 $0x0;
	s20 =	sshll.u32 s6, $0x1;
	s6 =	sadd.s32 s21, s4  }
0xa3: {  	[timem:s8], [sflag:s22] =	dma.local [hbm:s6], s20  }
0xa4: {  	_ =	swait.ge [sflag:s22], s20  }
0xa5: {  	s5 =	ssub.s32 $0x0, s20;
	[sflag:s22] =	ssyncset.done $0x0  }
0xa6: {  	[sflag:s22] =	ssyncadd.s32 s5;
	_ =	sdelay $0x1  }
0xa7: {  	s23 =	simm.s32 $0x1B8B  }
0xa8: {  	_ =	swait.ge [sflag:s23], $0x1  }
0xa9: {  	[sflag:s23] =	ssyncset.done $0x0  }
0xaa: {  	s25 =	simm.s32 $0x1B8E;
	s24 =	sld [smem:$0x3FFE];
	[sflag:s23] =	ssyncadd.s32 $0xFFFFFFFF  }
0xab: {  	s26 =	simm.s32 $execute0_lowered;
	[smem:$0x3FD2] =	sst s25  }
0xac: {  	s6 =	sshll.u32 s26, $0x1;
	_ =	strace $0x80000046;
	[dreg:$0x1] =	wrdreg $0xFFFFFFFF  }
0xad: {  	s28 =	simm.s32 $_size_execute0_lowered;
	s4 =	sadd.s32 s4, s6;
	[dreg:$0x0] =	wrdreg $0x0  }
0xae: {  	s6 =	sshll.u32 s28, $0x1;
	[dreg:$0x2] =	wrdreg s4  }
0xaf: {  	[dreg:$0x3] =	wrdreg s6  }
0xb0: {  	[dreg:$0x4] =	wrdreg $0xC0  }
0xb1: {  	_ =	task [dreg:s8], $0x5FFFF  }
0xb2: {  	[dreg:$0x1] =	wrdreg $0xFFFFFFFF  }
0xb3: {  	[dreg:$0x0] =	wrdreg $0x60  }
0xb4: {  	[dreg:$0x2] =	wrdreg s15  }
0xb5: {  	[dreg:$0x3] =	wrdreg s24  }
0xb6: {  	[dreg:$0x4] =	wrdreg s16  }
0xb7: {  	[dreg:$0x5] =	wrdreg $0x9  }
0xb8: {  	_ =	task.clear_ibuf [dreg:s8], $0x6FFFF;
	_ =	strace $0x90000046  }
0xb9: {  	s29 =	simm.s32 $0x9;
	_ =	strace $0x80000048  }
0xba: {  	_ =	swait.ge [sflag:s29], $0x1  }
0xbb: {  	[sflag:s29] =	ssyncadd.s32 $0xFFFFFFFF  }
0xbc: {  	_ =	strace $0x90000048  }
0xbd: {  	_ =	sfence  }
0xbe: {  	s30 =	sld [smem:$0x0];
	_ =	sdelay $0x2  }
0xbf: {  	s31 =	sshll.u32 s1, $0xD;
	s1 =	sshrl.u32 s1, $0x2  }
0xc0: {  	s3 =	sand.u32 $0x4000, s31;
	s1 =	sadd.s32 s1, s30  }
0xc1: {  	s0 =	sor.u32 s3, s0;
	s1 =	sshll.u32 s1, $0x11  }
0xc2: {  	s0 =	sor.u32 s1, s0  }
0xc3: {  	s0 =	sadd.s32 $0x8F2B, s0  }
0xc4: {  	[sflag:s0] =	ssyncadd.remote.s32 $0x1  }
0xc5: {  	_ =	sfence.sel $0xFFFF  }
0xc6: {  	[dreg:$0x0] =	wrdreg $0xFFFFFFFF;
	(pc) =	sbr.abs _section_cstart, $3  }
0xc7: {  	[dreg:$0x1] =	wrdreg $0xFFFFFFFF  }
0xc8: {  	_ =	task.clear_ibuf [dreg:s8], $0x2FFFF;
	_ =	strace $0x9FFFFFFF  }
0xc9: {  	(tm) =	ssettm $0x7FFFFFFF  }
tec
execute0_lowered:
.L_overlay_start_1:
0x0: {  	(tag) =	ssettag $0x1  }
0x1: {  	s1 =	rddreg [dreg:$0x0]  }
0x2: {  	s4 =	rddreg [dreg:$0x1]  }
0x3: {  	s5 =	rddreg [dreg:$0x2]  }
0x4: {  	s0 =	rddreg [dreg:$0x3];
	s3 =	simm.s32 $0x0;
	s6 =	srdreg.scid  }
0x5: {  	s2 =	stileid.u32;
	s11 =	simm.s32 $0x1A00;
	s12 =	simm.s32 $0x2200  }
0x6: {  	s13 =	simm.s32 $0x2A00;
	s14 =	simm.s32 $0x3200;
	s15 =	simm.s32 $0x3A00  }
0x7: {  	s16 =	simm.s32 $0x4200;
	s17 =	simm.s32 $0x4A00;
	s18 =	simm.s32 $0x5200  }
0x8: {  	s19 =	simm.s32 $0x5A00;
	s20 =	simm.s32 $0x6200;
	s21 =	simm.s32 $0x6A00  }
0x9: {  	s22 =	simm.s32 $0x7200;
	s23 =	simm.s32 $0x7A00;
	s24 =	simm.s32 $0x1  }
0xa: {  	s25 =	simm.s32 $0x0;
	[smem:$0x7FF] =	sst s3;
	s6 =	sand.u32 $0x1, s6  }
0xb: {  	s8 =	sshll.u32 s2, $0xA;
	s30 =	sshll.u32 s2, $0xF;
	s7 =	ssub.s32 $0x2, s6  }
0xc: {  	s9 =	sshll.u32 s6, $0x9;
	_ =	strace $0x80000047;
	s31 =	sadd.s32 s30, s5  }
0xd: {  	s6 =	sshll.u32 s6, $0xE;
	s10 =	sshrl.u32 s7, $0x1;
	s8 =	sor.u32 s9, s8  }
0xe: {  	v2 =	vlaneseq.u32;
	s6 =	sadd.s32 s6, s31;
	s9 =	simm.s32 $0xA00;
	s8 =	sshrl.u32 s8, $0x3  }
0xf: {  	vm0 =	vmmov $0xffff;
	v1 =	vshrl.u32 v2, $0x3;
	s7 =	ssub.s32 s7, s10;
	s10 =	simm.s32 $0x1200;
	s4 =	sadd.s32 s4, s8  }
0x10: {  	v0 =	vand.u32 $0x7, v2;
	v2 =	vor.u32 $0x8, v2;
	v1 =	vmul.u32 $0x8, v1;
	s5 =	smax.u32 s7, $0x1;
	s7 =	simm.s32 $0x2;
	s8 =	simm.s32 $0x200  }
.LBB2_1:
0x11: {  	[tilespmem:s3], [sflag:$0x2] =	stream.linear.gather [hbm4b:s4+s3], $0x200, $0x38;
	[tilespmem:$0x8200] =	vst v63  }
0x12: {  	_ =	swait.ge [sflag:s7], $0x200  }
0x13: {  	[sflag:s7] =	ssyncset.done $0x0  }
0x14: {  	s26 =	simm.s32 $0x40;
	s28 =	simm.s32 $0x0;
	[sflag:s7] =	ssyncadd.s32 $0xFFFFFE00  }
.LBB2_2:
0x15: {  	v3 =	vld [tilespmem:s26+$0xFFFFFFC0];
	_ =	sdelay $0x4  }
0x16: {  	v4 =	vshll.u32 v3, $0x1  }
0x17: {  	v3 =	vand.u32 $0x7, v3;
	v4 =	vand.u32 $0xFFFFFFF0, v4  }
0x18: {  	v3 =	vor.u32 v3, v4  }
0x19: {  	v4 =	vperm.xlane v3, v0;
	_ =	sdelay $0x1  }
0x1a: {  	v3 =	vperm.xlane v3, v2;
	v4 =	vadd.s32 v1, v4;
	_ =	sdelay $0x1  }
0x1b: {  	v3 =	vadd.s32 v1, v3;
	_ =	sdelay $0x2  }
0x1c: {  	[tilespmem:s8], [sflag:$0x1] =	stream.indirect_vreg.gather [hbm4b:s1+s3], $0x80, v4, vm0, $0xb8;
	[tilespmem:$0x8200] =	vst v63  }
0x1d: {  	_ = 	snop  }
0x1e: {  	[tilespmem:s9], [sflag:$0x1] =	stream.indirect_vreg.gather [hbm4b:s1+s3], $0x80, v3, vm0, $0xb8;
	[tilespmem:$0x8200] =	vst v63  }
0x1f: {  	v3 =	vld [tilespmem:s26+$0xFFFFFFD0];
	_ =	sdelay $0x4  }
0x20: {  	v57 =	vshll.u32 v3, $0x1  }
0x21: {  	v3 =	vand.u32 $0x7, v3;
	v4 =	vand.u32 $0xFFFFFFF0, v57  }
0x22: {  	v3 =	vor.u32 v3, v4  }
0x23: {  	v4 =	vperm.xlane v3, v0;
	_ =	sdelay $0x1  }
0x24: {  	v3 =	vperm.xlane v3, v2;
	v4 =	vadd.s32 v1, v4;
	_ =	sdelay $0x1  }
0x25: {  	v3 =	vadd.s32 v1, v3;
	_ =	sdelay $0x2  }
0x26: {  	[tilespmem:s10], [sflag:$0x1] =	stream.indirect_vreg.gather [hbm4b:s1+s3], $0x80, v4, vm0, $0xb8;
	[tilespmem:$0x8200] =	vst v63  }
0x27: {  	_ = 	snop  }
0x28: {  	[tilespmem:s11], [sflag:$0x1] =	stream.indirect_vreg.gather [hbm4b:s1+s3], $0x80, v3, vm0, $0xb8;
	[tilespmem:$0x8200] =	vst v63  }
0x29: {  	v3 =	vld [tilespmem:s26+$0xFFFFFFE0];
	_ =	sdelay $0x4  }
0x2a: {  	v58 =	vshll.u32 v3, $0x1  }
0x2b: {  	v3 =	vand.u32 $0x7, v3;
	v4 =	vand.u32 $0xFFFFFFF0, v58  }
0x2c: {  	v3 =	vor.u32 v3, v4  }
0x2d: {  	v4 =	vperm.xlane v3, v0;
	_ =	sdelay $0x1  }
0x2e: {  	v3 =	vperm.xlane v3, v2;
	v4 =	vadd.s32 v1, v4;
	_ =	sdelay $0x1  }
0x2f: {  	v3 =	vadd.s32 v1, v3;
	_ =	sdelay $0x2  }
0x30: {  	[tilespmem:s12], [sflag:$0x1] =	stream.indirect_vreg.gather [hbm4b:s1+s3], $0x80, v4, vm0, $0xb8;
	[tilespmem:$0x8200] =	vst v63  }
0x31: {  	_ = 	snop  }
0x32: {  	[tilespmem:s13], [sflag:$0x1] =	stream.indirect_vreg.gather [hbm4b:s1+s3], $0x80, v3, vm0, $0xb8;
	[tilespmem:$0x8200] =	vst v63  }
0x33: {  	v3 =	vld [tilespmem:s26+$0xFFFFFFF0];
	_ =	sdelay $0x4  }
0x34: {  	v59 =	vshll.u32 v3, $0x1  }
0x35: {  	v3 =	vand.u32 $0x7, v3;
	v4 =	vand.u32 $0xFFFFFFF0, v59  }
0x36: {  	v3 =	vor.u32 v3, v4  }
0x37: {  	v4 =	vperm.xlane v3, v0;
	_ =	sdelay $0x1  }
0x38: {  	v3 =	vperm.xlane v3, v2;
	v4 =	vadd.s32 v1, v4;
	_ =	sdelay $0x1  }
0x39: {  	v3 =	vadd.s32 v1, v3;
	_ =	sdelay $0x2  }
0x3a: {  	[tilespmem:s14], [sflag:$0x1] =	stream.indirect_vreg.gather [hbm4b:s1+s3], $0x80, v4, vm0, $0xb8;
	[tilespmem:$0x8200] =	vst v63  }
0x3b: {  	_ = 	snop  }
0x3c: {  	[tilespmem:s15], [sflag:$0x1] =	stream.indirect_vreg.gather [hbm4b:s1+s3], $0x80, v3, vm0, $0xb8;
	[tilespmem:$0x8200] =	vst v63  }
0x3d: {  	v3 =	vld [tilespmem:s26+$0x0];
	_ =	sdelay $0x4  }
0x3e: {  	v60 =	vshll.u32 v3, $0x1  }
0x3f: {  	v3 =	vand.u32 $0x7, v3;
	v4 =	vand.u32 $0xFFFFFFF0, v60  }
0x40: {  	v3 =	vor.u32 v3, v4  }
0x41: {  	v4 =	vperm.xlane v3, v0;
	_ =	sdelay $0x1  }
0x42: {  	v3 =	vperm.xlane v3, v2;
	v4 =	vadd.s32 v1, v4;
	_ =	sdelay $0x1  }
0x43: {  	v3 =	vadd.s32 v1, v3;
	_ =	sdelay $0x2  }
0x44: {  	[tilespmem:s16], [sflag:$0x1] =	stream.indirect_vreg.gather [hbm4b:s1+s3], $0x80, v4, vm0, $0xb8;
	[tilespmem:$0x8200] =	vst v63  }
0x45: {  	_ = 	snop  }
0x46: {  	[tilespmem:s17], [sflag:$0x1] =	stream.indirect_vreg.gather [hbm4b:s1+s3], $0x80, v3, vm0, $0xb8;
	[tilespmem:$0x8200] =	vst v63  }
0x47: {  	v3 =	vld [tilespmem:s26+$0x10];
	_ =	sdelay $0x4  }
0x48: {  	v61 =	vshll.u32 v3, $0x1  }
0x49: {  	v3 =	vand.u32 $0x7, v3;
	v4 =	vand.u32 $0xFFFFFFF0, v61  }
0x4a: {  	v3 =	vor.u32 v3, v4  }
0x4b: {  	v4 =	vperm.xlane v3, v0;
	_ =	sdelay $0x1  }
0x4c: {  	v3 =	vperm.xlane v3, v2;
	v4 =	vadd.s32 v1, v4;
	_ =	sdelay $0x1  }
0x4d: {  	v3 =	vadd.s32 v1, v3;
	_ =	sdelay $0x2  }
0x4e: {  	[tilespmem:s18], [sflag:$0x1] =	stream.indirect_vreg.gather [hbm4b:s1+s3], $0x80, v4, vm0, $0xb8;
	[tilespmem:$0x8200] =	vst v63  }
0x4f: {  	_ = 	snop  }
0x50: {  	[tilespmem:s19], [sflag:$0x1] =	stream.indirect_vreg.gather [hbm4b:s1+s3], $0x80, v3, vm0, $0xb8;
	[tilespmem:$0x8200] =	vst v63  }
0x51: {  	v3 =	vld [tilespmem:s26+$0x20];
	_ =	sdelay $0x4  }
0x52: {  	v62 =	vshll.u32 v3, $0x1  }
0x53: {  	v3 =	vand.u32 $0x7, v3;
	v4 =	vand.u32 $0xFFFFFFF0, v62  }
0x54: {  	v3 =	vor.u32 v3, v4  }
0x55: {  	v4 =	vperm.xlane v3, v0;
	_ =	sdelay $0x1  }
0x56: {  	v3 =	vperm.xlane v3, v2;
	v4 =	vadd.s32 v1, v4;
	_ =	sdelay $0x1  }
0x57: {  	v3 =	vadd.s32 v1, v3;
	_ =	sdelay $0x2  }
0x58: {  	[tilespmem:s20], [sflag:$0x1] =	stream.indirect_vreg.gather [hbm4b:s1+s3], $0x80, v4, vm0, $0xb8;
	[tilespmem:$0x8200] =	vst v63  }
0x59: {  	_ = 	snop  }
0x5a: {  	[tilespmem:s21], [sflag:$0x1] =	stream.indirect_vreg.gather [hbm4b:s1+s3], $0x80, v3, vm0, $0xb8;
	[tilespmem:$0x8200] =	vst v63  }
0x5b: {  	v3 =	vld [tilespmem:s26+$0x30];
	_ =	sdelay $0x4  }
0x5c: {  	v63 =	vshll.u32 v3, $0x1  }
0x5d: {  	v3 =	vand.u32 $0x7, v3;
	v4 =	vand.u32 $0xFFFFFFF0, v63  }
0x5e: {  	v3 =	vor.u32 v3, v4  }
0x5f: {  	v4 =	vperm.xlane v3, v0;
	_ =	sdelay $0x1  }
0x60: {  	v3 =	vperm.xlane v3, v2;
	v4 =	vadd.s32 v1, v4;
	_ =	sdelay $0x1  }
0x61: {  	v3 =	vadd.s32 v1, v3;
	_ =	sdelay $0x2  }
0x62: {  	[tilespmem:s22], [sflag:$0x1] =	stream.indirect_vreg.gather [hbm4b:s1+s3], $0x80, v4, vm0, $0xb8;
	[tilespmem:$0x8200] =	vst v63  }
0x63: {  	_ = 	snop  }
0x64: {  	[tilespmem:s23], [sflag:$0x1] =	stream.indirect_vreg.gather [hbm4b:s1+s3], $0x80, v3, vm0, $0xb8;
	[tilespmem:$0x8200] =	vst v63  }
0x65: {  	_ =	swait.ge [sflag:s24], $0x8000  }
0x66: {  	p0 =	sne.s32 s28, $0x3000;
	[sflag:s24] =	ssyncset.done $0x0  }
.Ltmp0:
0x67: {  	s29 =	sadd.s32 s28, s6;
	[sflag:s24] =	ssyncadd.s32 $0xFFFF8000;
	(pc) =	sbr.rel @p0 .LBB2_2-.Ltmp0, $4  }
0x68: {  	[hbm4b:s29+s3] =	stream.linear.scatter [tilespmem:s8], [sflag:$0x2], $0x8000, $0x38;
	[tilespmem:$0x8200] =	vst v63  }
0x69: {  	_ =	swait.ge [sflag:s7], $0x8000  }
0x6a: {  	[sflag:s7] =	ssyncset.done $0x0  }
0x6b: {  	s28 =	sadd.s32 $0x1000, s28;
	s26 =	sadd.s32 $0x80, s26;
	[sflag:s7] =	ssyncadd.s32 $0xFFFF8000  }
0x6c: {  	s25 =	sadd.s32 $0x1, s25  }
0x6d: {  	p0 =	sne.s32 s25, s5  }
.Ltmp1:
0x6e: {  	_ = 	snop;
	(pc) =	sbr.rel @p0 .LBB2_1-.Ltmp1, $1  }
0x6f: {  	_ =	sdelay $0x3  }
0x70: {  	_ =	sfence.sel $0x180000  }
0x71: {  	[bflag:$0x0] =	sbarrier.arrive $0xFFFF  }
0x72: {  	p0 =	sne.s32 s2, $0x0;
	_ =	strace $0x90000047  }
0x73: {  	s0 =	sadd.s32 @!p0 $0x100000, s0;
	[bflag:$0x2] =	sbarrier.arrive $0xFFFF  }
0x74: {  	[sflag:s0] =	ssyncadd.tile.s32 @!p0 $0x1;
	_ =	shalt  }
.Lfunc_end2:
_tile_overlayer_lowered:
.L_overlay_start_2:
0x75: {  	(tag) =	ssettag $0x2  }
0x76: {  	s0 =	rddreg [dreg:$0x0];
	s2 =	stileid.u32  }
0x77: {  	s1 =	rddreg [dreg:$0x1];
	p0 =	sne.s32 s2, $0x0  }
0x78: {  	s3 =	rddreg [dreg:$0x2];
	[bflag:$0x3] =	sbarrier.arrive $0xFFFF;
	s2 =	simm.s32 @!p0 $0x1C02  }
0x79: {  	[timem:s3], [sflag:s2] =	dma.local @!p0 [hbm:s0], s1  }
0x7a: {  	s0 =	simm.s32 @!p0 $0x2  }
0x7b: {  	_ =	swait.ge @!p0 [sflag:s0], s1  }
0x7c: {  	s1 =	ssub.s32 @!p0 $0x0, s1;
	[sflag:s0] =	ssyncset.done @!p0 $0x0  }
0x7d: {  	[sflag:s0] =	ssyncadd.s32 @!p0 s1  }
0x7e: {  	[bflag:$0x3] =	sbarrier.arrive $0xFFFF  }
0x7f: {  	_ =	shalt  }

</sc_bundles>
